<compile_context>
chip_gen: v7x
topology: tpu7x:2x2x1
jax: 0.10.2.dev20260603
libtpu: 0.0.44.dev20260713+nightly
codegen_flags: <defaults>
</compile_context>

<pallas_src>
import functools

import jax
import jax.numpy as jnp
from jax import lax
from jax.experimental import pallas as pl
from jax.experimental.pallas import tpu as pltpu
from jax.experimental.pallas import tpu_sc as plsc

N_NODES = 10000
N_EDGES = 320000
IN_DIM = 128
L1_DIM = 16
N_TYPES = 1000
T_PAD = 1024

N_CORES = 2
N_SUBCORES = 16
N_WORKERS = N_CORES * N_SUBCORES

EPW = N_EDGES // N_WORKERS
CHUNK = 2000
N_CHUNKS = EPW // CHUNK
GROUPS_W = EPW // 16
GROUPS_C = CHUNK // 16

_CONTRACT_MINOR = (((1,), (1,)), ((), ()))

_SC_MESH = plsc.VectorSubcoreMesh(core_axis_name="c", subcore_axis_name="s")
_SC_PARAMS = pltpu.CompilerParams(
    needs_layout_passes=False, use_tc_tiling_on_sc=False)



def _score_body(z_ref, w_ref, v_ref, q_ref):
    p = jnp.maximum(
        jnp.dot(z_ref[...], w_ref[...], preferred_element_type=jnp.float32),
        0.0)
    q = lax.dot_general(p, v_ref[...], _CONTRACT_MINOR,
                        preferred_element_type=jnp.float32)
    for j in range(T_PAD // 128):
        q_ref[:, j, :] = q[:, 128 * j:128 * (j + 1)]


def _scores(z, w_l1, w_l2):
    rows = 2000
    grid = (N_NODES // rows,)
    vp = jnp.pad(w_l2, ((0, T_PAD - N_TYPES), (0, 0)))
    q = pl.pallas_call(
        _score_body,
        grid=grid,
        in_specs=[
            pl.BlockSpec((rows, IN_DIM), lambda i: (i, 0)),
            pl.BlockSpec((IN_DIM, L1_DIM), lambda i: (0, 0)),
            pl.BlockSpec((T_PAD, L1_DIM), lambda i: (0, 0)),
        ],
        out_specs=pl.BlockSpec((rows, T_PAD // 128, 128), lambda i: (i, 0, 0)),
        out_shape=jax.ShapeDtypeStruct((N_NODES, T_PAD // 128, 128),
                                       jnp.float32),
    )(z, w_l1, vp)
    return q.reshape(N_NODES * T_PAD)



def _idx_body(src_hbm, dst_hbm, et_hbm, i1_hbm, i2_hbm,
              s_v, d_v, t_v, i1_v, i2_v):
    wid = lax.axis_index("s") * N_CORES + lax.axis_index("c")
    base = wid * EPW
    pltpu.sync_copy(src_hbm.at[pl.ds(base, EPW)], s_v)
    pltpu.sync_copy(dst_hbm.at[pl.ds(base, EPW)], d_v)
    pltpu.sync_copy(et_hbm.at[pl.ds(base, EPW)], t_v)

    @plsc.parallel_loop(0, GROUPS_W, unroll=4)
    def idx_body(g):
        sl = pl.ds(g * 16, 16)
        t16 = t_v[sl]
        i1_v[sl] = s_v[sl] * T_PAD + t16
        i2_v[sl] = d_v[sl] * T_PAD + t16

    pltpu.sync_copy(i1_v, i1_hbm.at[pl.ds(base, EPW)])
    pltpu.sync_copy(i2_v, i2_hbm.at[pl.ds(base, EPW)])


_idx_kernel = functools.partial(
    pl.kernel,
    out_type=[jax.ShapeDtypeStruct((N_EDGES,), jnp.int32),
              jax.ShapeDtypeStruct((N_EDGES,), jnp.int32)],
    mesh=_SC_MESH,
    compiler_params=_SC_PARAMS,
    scratch_types=[pltpu.VMEM((EPW,), jnp.int32) for _ in range(5)],
)(_idx_body)



def _gather1_body(q1_hbm, i1_hbm, part_hbm, i1_v, q1r_v, sem, osem):
    wid = lax.axis_index("s") * N_CORES + lax.axis_index("c")
    base = wid * EPW
    pltpu.sync_copy(i1_hbm.at[pl.ds(base, EPW)], i1_v)
    pend = []
    for c in range(N_CHUNKS):
        sl = pl.ds(c * CHUNK, CHUNK)
        pend.append(pltpu.async_copy(q1_hbm.at[i1_v.at[sl]], q1r_v.at[sl],
                                     sem))
    outs = []
    for c in range(N_CHUNKS):
        pend[c].wait()
        outs.append(pltpu.async_copy(
            q1r_v.at[pl.ds(c * CHUNK, CHUNK)],
            part_hbm.at[pl.ds(base + c * CHUNK, CHUNK)], osem))
    for cp in outs:
        cp.wait()


_gather1_kernel = functools.partial(
    pl.kernel,
    out_type=jax.ShapeDtypeStruct((N_EDGES,), jnp.float32),
    mesh=_SC_MESH,
    compiler_params=_SC_PARAMS,
    scratch_types=[
        pltpu.VMEM((EPW,), jnp.int32),
        pltpu.VMEM((EPW,), jnp.float32),
        pltpu.SemaphoreType.DMA,
        pltpu.SemaphoreType.DMA,
    ],
)(_gather1_body)



def _gather2_body(q2_hbm, i2_hbm, part_hbm, out_hbm,
                  i2_v, q2r_v, partb_v, outb_v, sem, osem):
    wid = lax.axis_index("s") * N_CORES + lax.axis_index("c")
    base = wid * EPW
    pltpu.sync_copy(i2_hbm.at[pl.ds(base, EPW)], i2_v)
    pend = []
    for c in range(N_CHUNKS):
        sl = pl.ds(c * CHUNK, CHUNK)
        pend.append(pltpu.async_copy(q2_hbm.at[i2_v.at[sl]], q2r_v.at[sl],
                                     sem))
    pltpu.sync_copy(part_hbm.at[pl.ds(base, EPW)], partb_v)
    outs = []
    for c in range(N_CHUNKS):
        pend[c].wait()

        @plsc.parallel_loop(0, GROUPS_C, unroll=2)
        def out_body(g):
            sl = pl.ds(c * CHUNK + g * 16, 16)
            acc = partb_v[sl] + q2r_v[sl]
            outb_v[sl] = 1.0 / (1.0 + jnp.exp(-acc))

        outs.append(pltpu.async_copy(
            outb_v.at[pl.ds(c * CHUNK, CHUNK)],
            out_hbm.at[pl.ds(base + c * CHUNK, CHUNK)], osem))
    for cp in outs:
        cp.wait()


_gather2_kernel = functools.partial(
    pl.kernel,
    out_type=jax.ShapeDtypeStruct((N_EDGES,), jnp.float32),
    mesh=_SC_MESH,
    compiler_params=_SC_PARAMS,
    scratch_types=[
        pltpu.VMEM((EPW,), jnp.int32),
        pltpu.VMEM((EPW,), jnp.float32),
        pltpu.VMEM((EPW,), jnp.float32),
        pltpu.VMEM((EPW,), jnp.float32),
        pltpu.SemaphoreType.DMA,
        pltpu.SemaphoreType.DMA,
    ],
)(_gather2_body)


def kernel(z, edge_index, edge_type, w1_l1, w1_l2, w2_l1, w2_l2):
    src = edge_index[0].astype(jnp.int32)
    dst = edge_index[1].astype(jnp.int32)
    et = edge_type.astype(jnp.int32)
    i1, i2 = _idx_kernel(src, dst, et)
    q1 = _scores(z, w1_l1, w1_l2)
    part = _gather1_kernel(q1, i1)
    q2 = _scores(z, w2_l1, w2_l2)
    return _gather2_kernel(q2, i2, part)

# --- scband reference (transcript-rebuilt; emitter-appended) ---
"""Pipeline reference for scband-nndecoder-15264313770421 (READ-ONLY COPY).

The authoritative reference and input builder live on the scoring server;
editing this copy changes nothing except your own understanding.
"""

import jax, jax.numpy as jnp
import numpy as np


def setup_inputs(seed: int = 0) -> dict:
    key = jax.random.key(seed)
    k_z, k_ei, k_et, k_w1l1, k_w1l2, k_w2l1, k_w2l2 = jax.random.split(key, 7)
    n_nodes = 10000
    n_edges = 320000
    in_dim = 128
    num_uni_edge_type = 1000
    l1_dim = 16
    z = jax.random.normal(k_z, (n_nodes, in_dim), dtype=jnp.float32)
    edge_index = jax.random.randint(k_ei, (2, n_edges), 0, n_nodes, dtype=jnp.int64)
    edge_type = jax.random.randint(k_et, (n_edges,), 0, num_uni_edge_type, dtype=jnp.int64)
    # parameters, matching reset_parameters(): w*_l1 ~ N(0,1); w*_l2 ~ N(0, 1/sqrt(l1_dim))
    w1_l1 = jax.random.normal(k_w1l1, (in_dim, l1_dim), dtype=jnp.float32)
    w2_l1 = jax.random.normal(k_w2l1, (in_dim, l1_dim), dtype=jnp.float32)
    std = 1.0 / np.sqrt(l1_dim)
    w1_l2 = jax.random.normal(k_w1l2, (num_uni_edge_type, l1_dim), dtype=jnp.float32) * std
    w2_l2 = jax.random.normal(k_w2l2, (num_uni_edge_type, l1_dim), dtype=jnp.float32) * std
    return {"z": z, "edge_index": edge_index, "edge_type": edge_type,
            "w1_l1": w1_l1, "w1_l2": w1_l2, "w2_l1": w2_l1, "w2_l2": w2_l2}


def reference(z, edge_index, edge_type, w1_l1, w1_l2, w2_l1, w2_l2):
    # gather source/dst node features, project to l1_dim
    d1 = jnp.matmul(jnp.take(z, edge_index[0], axis=0), w1_l1)
    d2 = jnp.matmul(jnp.take(z, edge_index[1], axis=0), w2_l1)
    d1 = jax.nn.relu(d1)
    d2 = jax.nn.relu(d2)
    # per-edge-type weighted reduction (embedding gather over edge types)
    d1 = (d1 * jnp.take(w1_l2, edge_type, axis=0)).sum(axis=1)
    d2 = (d2 * jnp.take(w2_l2, edge_type, axis=0)).sum(axis=1)
    return jax.nn.sigmoid(d1 + d2)

if __name__ == "__main__":
    import jax
    _d = setup_inputs()
    print(jax.jit(kernel)(*tuple(_d.values())))

</pallas_src>

<mosaic_0001>
#map = affine_map<(d0, d1) -> (0)>
module attributes {stable_mosaic.version = 14 : i64} {
  func.func @_idx_body(%arg0: i32, %arg1: i32, %arg2: memref<320000xi32, #tpu.memory_space<hbm>>, %arg3: memref<320000xi32, #tpu.memory_space<hbm>>, %arg4: memref<320000xi32, #tpu.memory_space<hbm>>, %arg5: memref<320000xi32, #tpu.memory_space<hbm>>, %arg6: memref<320000xi32, #tpu.memory_space<hbm>>, %arg7: memref<10000xi32, #tpu.memory_space<vmem>>, %arg8: memref<10000xi32, #tpu.memory_space<vmem>>, %arg9: memref<10000xi32, #tpu.memory_space<vmem>>, %arg10: memref<10000xi32, #tpu.memory_space<vmem>>, %arg11: memref<10000xi32, #tpu.memory_space<vmem>>) attributes {dimension_semantics = [#tpu.dimension_semantics<core_parallel>, #tpu.dimension_semantics<subcore_parallel>], iteration_bounds = array<i64: 2, 16>, scalar_prefetch = 0 : i64, scratch_operands = 5 : i64, tpu.core_type = #tpu.core_type<sc_vector_subcore>, window_params = [{transform_indices = #map}, {transform_indices = #map}, {transform_indices = #map}, {transform_indices = #map}, {transform_indices = #map}]} {
    %mul3A = arith.constant 2 : i32
    %mul3A_0 = arith.muli %arg1, %mul3A : i32
    %add3A = arith.addi %mul3A_0, %arg0 : i32
    %mul3A_1 = arith.constant 10000 : i32
    %mul3A_2 = arith.muli %add3A, %mul3A_1 : i32
    "tpu.region"() ({
      %run_scoped3A = tpu.sem_alloc : memref<!tpu.dma_semaphore, #tpu.memory_space<semaphore_mem>>
      %dma_start3A = tpu.memref_slice %arg2[%mul3A_2] : memref<320000xi32, #tpu.memory_space<hbm>> -> memref<10000xi32, #tpu.memory_space<hbm>>
      %dma_start3A_5 = tpu.memref_slice %arg2[%mul3A_2] : memref<320000xi32, #tpu.memory_space<hbm>> -> memref<10000xi32, #tpu.memory_space<hbm>>
      tpu.enqueue_dma source(%dma_start3A_5 : memref<10000xi32, #tpu.memory_space<hbm>>) target(%arg7 : memref<10000xi32, #tpu.memory_space<vmem>>) target_semaphore(%run_scoped3A : memref<!tpu.dma_semaphore, #tpu.memory_space<semaphore_mem>>)
      %dma_wait3A = tpu.memref_slice %arg2[%mul3A_2] : memref<320000xi32, #tpu.memory_space<hbm>> -> memref<10000xi32, #tpu.memory_space<hbm>>
      %dma_wait3A_6 = tpu.memref_slice %arg2[%mul3A_2] : memref<320000xi32, #tpu.memory_space<hbm>> -> memref<10000xi32, #tpu.memory_space<hbm>>
      tpu.wait_dma2 semaphore(%run_scoped3A : memref<!tpu.dma_semaphore, #tpu.memory_space<semaphore_mem>>) src(%dma_wait3A_6 : memref<10000xi32, #tpu.memory_space<hbm>>) dst(%arg7 : memref<10000xi32, #tpu.memory_space<vmem>>)
      tpu.yield
    }) : () -> ()
    "tpu.region"() ({
      %run_scoped3A = tpu.sem_alloc : memref<!tpu.dma_semaphore, #tpu.memory_space<semaphore_mem>>
      %dma_start3A = tpu.memref_slice %arg3[%mul3A_2] : memref<320000xi32, #tpu.memory_space<hbm>> -> memref<10000xi32, #tpu.memory_space<hbm>>
      %dma_start3A_5 = tpu.memref_slice %arg3[%mul3A_2] : memref<320000xi32, #tpu.memory_space<hbm>> -> memref<10000xi32, #tpu.memory_space<hbm>>
      tpu.enqueue_dma source(%dma_start3A_5 : memref<10000xi32, #tpu.memory_space<hbm>>) target(%arg8 : memref<10000xi32, #tpu.memory_space<vmem>>) target_semaphore(%run_scoped3A : memref<!tpu.dma_semaphore, #tpu.memory_space<semaphore_mem>>)
      %dma_wait3A = tpu.memref_slice %arg3[%mul3A_2] : memref<320000xi32, #tpu.memory_space<hbm>> -> memref<10000xi32, #tpu.memory_space<hbm>>
      %dma_wait3A_6 = tpu.memref_slice %arg3[%mul3A_2] : memref<320000xi32, #tpu.memory_space<hbm>> -> memref<10000xi32, #tpu.memory_space<hbm>>
      tpu.wait_dma2 semaphore(%run_scoped3A : memref<!tpu.dma_semaphore, #tpu.memory_space<semaphore_mem>>) src(%dma_wait3A_6 : memref<10000xi32, #tpu.memory_space<hbm>>) dst(%arg8 : memref<10000xi32, #tpu.memory_space<vmem>>)
      tpu.yield
    }) : () -> ()
    "tpu.region"() ({
      %run_scoped3A = tpu.sem_alloc : memref<!tpu.dma_semaphore, #tpu.memory_space<semaphore_mem>>
      %dma_start3A = tpu.memref_slice %arg4[%mul3A_2] : memref<320000xi32, #tpu.memory_space<hbm>> -> memref<10000xi32, #tpu.memory_space<hbm>>
      %dma_start3A_5 = tpu.memref_slice %arg4[%mul3A_2] : memref<320000xi32, #tpu.memory_space<hbm>> -> memref<10000xi32, #tpu.memory_space<hbm>>
      tpu.enqueue_dma source(%dma_start3A_5 : memref<10000xi32, #tpu.memory_space<hbm>>) target(%arg9 : memref<10000xi32, #tpu.memory_space<vmem>>) target_semaphore(%run_scoped3A : memref<!tpu.dma_semaphore, #tpu.memory_space<semaphore_mem>>)
      %dma_wait3A = tpu.memref_slice %arg4[%mul3A_2] : memref<320000xi32, #tpu.memory_space<hbm>> -> memref<10000xi32, #tpu.memory_space<hbm>>
      %dma_wait3A_6 = tpu.memref_slice %arg4[%mul3A_2] : memref<320000xi32, #tpu.memory_space<hbm>> -> memref<10000xi32, #tpu.memory_space<hbm>>
      tpu.wait_dma2 semaphore(%run_scoped3A : memref<!tpu.dma_semaphore, #tpu.memory_space<semaphore_mem>>) src(%dma_wait3A_6 : memref<10000xi32, #tpu.memory_space<hbm>>) dst(%arg9 : memref<10000xi32, #tpu.memory_space<vmem>>)
      tpu.yield
    }) : () -> ()
    %parallel_loop3A = arith.constant 0 : i32
    %parallel_loop3A_3 = arith.constant 625 : i32
    %parallel_loop3A_4 = arith.constant 1 : i32
    scf.for %parallel_loop3A_5 = %parallel_loop3A to %parallel_loop3A_3 step %parallel_loop3A_4  : i32 {
      %parallel_loop3A_6 = arith.constant 16 : i32
      %parallel_loop3A_7 = arith.muli %parallel_loop3A_5, %parallel_loop3A_6 : i32
      %parallel_loop3A_8 = arith.index_cast %parallel_loop3A_7 : i32 to index
      %parallel_loop3A_9 = tpu.vector_load %arg9[%parallel_loop3A_8] {strides = array<i32>} : memref<10000xi32, #tpu.memory_space<vmem>>, vector<16xi32>,
      %parallel_loop3A_10 = arith.index_cast %parallel_loop3A_7 : i32 to index
      %parallel_loop3A_11 = tpu.vector_load %arg7[%parallel_loop3A_10] {strides = array<i32>} : memref<10000xi32, #tpu.memory_space<vmem>>, vector<16xi32>,
      %parallel_loop3A_12 = arith.constant 1024 : i32
      %parallel_loop3A_13 = vector.broadcast %parallel_loop3A_12 : i32 to vector<16xi32>
      %parallel_loop3A_14 = arith.muli %parallel_loop3A_11, %parallel_loop3A_13 : vector<16xi32>
      %parallel_loop3A_15 = arith.addi %parallel_loop3A_14, %parallel_loop3A_9 : vector<16xi32>
      %parallel_loop3A_16 = arith.index_cast %parallel_loop3A_7 : i32 to index
      %parallel_loop3A_17 = tpu.vector_load %arg10[%parallel_loop3A_16] {strides = array<i32>} : memref<10000xi32, #tpu.memory_space<vmem>>, vector<16xi32>,
      tpu.vector_store %arg10[%parallel_loop3A_16], %parallel_loop3A_15 {strides = array<i32>} : memref<10000xi32, #tpu.memory_space<vmem>>, vector<16xi32>,
      %parallel_loop3A_18 = arith.index_cast %parallel_loop3A_7 : i32 to index
      %parallel_loop3A_19 = tpu.vector_load %arg8[%parallel_loop3A_18] {strides = array<i32>} : memref<10000xi32, #tpu.memory_space<vmem>>, vector<16xi32>,
      %parallel_loop3A_20 = arith.constant 1024 : i32
      %parallel_loop3A_21 = vector.broadcast %parallel_loop3A_20 : i32 to vector<16xi32>
      %parallel_loop3A_22 = arith.muli %parallel_loop3A_19, %parallel_loop3A_21 : vector<16xi32>
      %parallel_loop3A_23 = arith.addi %parallel_loop3A_22, %parallel_loop3A_9 : vector<16xi32>
      %parallel_loop3A_24 = arith.index_cast %parallel_loop3A_7 : i32 to index
      %parallel_loop3A_25 = tpu.vector_load %arg11[%parallel_loop3A_24] {strides = array<i32>} : memref<10000xi32, #tpu.memory_space<vmem>>, vector<16xi32>,
      tpu.vector_store %arg11[%parallel_loop3A_24], %parallel_loop3A_23 {strides = array<i32>} : memref<10000xi32, #tpu.memory_space<vmem>>, vector<16xi32>,
    } {sc.loop_unroll_factor = 4 : i64, sc.parallel_access}
    "tpu.region"() ({
      %run_scoped3A = tpu.sem_alloc : memref<!tpu.dma_semaphore, #tpu.memory_space<semaphore_mem>>
      %dma_start3A = tpu.memref_slice %arg5[%mul3A_2] : memref<320000xi32, #tpu.memory_space<hbm>> -> memref<10000xi32, #tpu.memory_space<hbm>>
      %dma_start3A_5 = tpu.memref_slice %arg5[%mul3A_2] : memref<320000xi32, #tpu.memory_space<hbm>> -> memref<10000xi32, #tpu.memory_space<hbm>>
      tpu.enqueue_dma source(%arg10 : memref<10000xi32, #tpu.memory_space<vmem>>) target(%dma_start3A_5 : memref<10000xi32, #tpu.memory_space<hbm>>) target_semaphore(%run_scoped3A : memref<!tpu.dma_semaphore, #tpu.memory_space<semaphore_mem>>)
      %dma_wait3A = tpu.memref_slice %arg5[%mul3A_2] : memref<320000xi32, #tpu.memory_space<hbm>> -> memref<10000xi32, #tpu.memory_space<hbm>>
      %dma_wait3A_6 = tpu.memref_slice %arg5[%mul3A_2] : memref<320000xi32, #tpu.memory_space<hbm>> -> memref<10000xi32, #tpu.memory_space<hbm>>
      tpu.wait_dma2 semaphore(%run_scoped3A : memref<!tpu.dma_semaphore, #tpu.memory_space<semaphore_mem>>) src(%arg10 : memref<10000xi32, #tpu.memory_space<vmem>>) dst(%dma_wait3A_6 : memref<10000xi32, #tpu.memory_space<hbm>>)
      tpu.yield
    }) : () -> ()
    "tpu.region"() ({
      %run_scoped3A = tpu.sem_alloc : memref<!tpu.dma_semaphore, #tpu.memory_space<semaphore_mem>>
      %dma_start3A = tpu.memref_slice %arg6[%mul3A_2] : memref<320000xi32, #tpu.memory_space<hbm>> -> memref<10000xi32, #tpu.memory_space<hbm>>
      %dma_start3A_5 = tpu.memref_slice %arg6[%mul3A_2] : memref<320000xi32, #tpu.memory_space<hbm>> -> memref<10000xi32, #tpu.memory_space<hbm>>
      tpu.enqueue_dma source(%arg11 : memref<10000xi32, #tpu.memory_space<vmem>>) target(%dma_start3A_5 : memref<10000xi32, #tpu.memory_space<hbm>>) target_semaphore(%run_scoped3A : memref<!tpu.dma_semaphore, #tpu.memory_space<semaphore_mem>>)
      %dma_wait3A = tpu.memref_slice %arg6[%mul3A_2] : memref<320000xi32, #tpu.memory_space<hbm>> -> memref<10000xi32, #tpu.memory_space<hbm>>
      %dma_wait3A_6 = tpu.memref_slice %arg6[%mul3A_2] : memref<320000xi32, #tpu.memory_space<hbm>> -> memref<10000xi32, #tpu.memory_space<hbm>>
      tpu.wait_dma2 semaphore(%run_scoped3A : memref<!tpu.dma_semaphore, #tpu.memory_space<semaphore_mem>>) src(%arg11 : memref<10000xi32, #tpu.memory_space<vmem>>) dst(%dma_wait3A_6 : memref<10000xi32, #tpu.memory_space<hbm>>)
      tpu.yield
    }) : () -> ()
    return
  }
}

#map = affine_map<(d0, d1) -> (0)>
module attributes {stable_mosaic.version = 14 : i64} {
  func.func @_gather1_body(%arg0: i32, %arg1: i32, %arg2: memref<10240000xf32, #tpu.memory_space<hbm>>, %arg3: memref<320000xi32, #tpu.memory_space<hbm>>, %arg4: memref<320000xf32, #tpu.memory_space<hbm>>, %arg5: memref<10000xi32, #tpu.memory_space<vmem>>, %arg6: memref<10000xf32, #tpu.memory_space<vmem>>, %arg7: memref<!tpu.dma_semaphore, #tpu.memory_space<semaphore_mem>>, %arg8: memref<!tpu.dma_semaphore, #tpu.memory_space<semaphore_mem>>) attributes {dimension_semantics = [#tpu.dimension_semantics<core_parallel>, #tpu.dimension_semantics<subcore_parallel>], iteration_bounds = array<i64: 2, 16>, scalar_prefetch = 0 : i64, scratch_operands = 4 : i64, tpu.core_type = #tpu.core_type<sc_vector_subcore>, window_params = [{transform_indices = #map}, {transform_indices = #map}, {transform_indices = #map}]} {
    %mul3A = arith.constant 2 : i32
    %mul3A_0 = arith.muli %arg1, %mul3A : i32
    %add3A = arith.addi %mul3A_0, %arg0 : i32
    %mul3A_1 = arith.constant 10000 : i32
    %mul3A_2 = arith.muli %add3A, %mul3A_1 : i32
    "tpu.region"() ({
      %run_scoped3A = tpu.sem_alloc : memref<!tpu.dma_semaphore, #tpu.memory_space<semaphore_mem>>
      %dma_start3A_131 = tpu.memref_slice %arg3[%mul3A_2] : memref<320000xi32, #tpu.memory_space<hbm>> -> memref<10000xi32, #tpu.memory_space<hbm>>
      %dma_start3A_132 = tpu.memref_slice %arg3[%mul3A_2] : memref<320000xi32, #tpu.memory_space<hbm>> -> memref<10000xi32, #tpu.memory_space<hbm>>
      tpu.enqueue_dma source(%dma_start3A_132 : memref<10000xi32, #tpu.memory_space<hbm>>) target(%arg5 : memref<10000xi32, #tpu.memory_space<vmem>>) target_semaphore(%run_scoped3A : memref<!tpu.dma_semaphore, #tpu.memory_space<semaphore_mem>>)
      %dma_wait3A_133 = tpu.memref_slice %arg3[%mul3A_2] : memref<320000xi32, #tpu.memory_space<hbm>> -> memref<10000xi32, #tpu.memory_space<hbm>>
      %dma_wait3A_134 = tpu.memref_slice %arg3[%mul3A_2] : memref<320000xi32, #tpu.memory_space<hbm>> -> memref<10000xi32, #tpu.memory_space<hbm>>
      tpu.wait_dma2 semaphore(%run_scoped3A : memref<!tpu.dma_semaphore, #tpu.memory_space<semaphore_mem>>) src(%dma_wait3A_134 : memref<10000xi32, #tpu.memory_space<hbm>>) dst(%arg5 : memref<10000xi32, #tpu.memory_space<vmem>>)
      tpu.yield
    }) : () -> ()
    %dma_start3A = arith.constant 0 : i32
    %dma_start3A_3 = tpu.memref_slice %arg6[%dma_start3A] : memref<10000xf32, #tpu.memory_space<vmem>> -> memref<2000xf32, #tpu.memory_space<vmem>>
    %dma_start3A_4 = arith.constant 0 : i32
    %dma_start3A_5 = tpu.memref_slice %arg5[%dma_start3A_4] : memref<10000xi32, #tpu.memory_space<vmem>> -> memref<2000xi32, #tpu.memory_space<vmem>>
    %dma_start3A_6 = arith.constant 0 : i32
    %dma_start3A_7 = tpu.memref_slice %arg2[%dma_start3A_6] : memref<10240000xf32, #tpu.memory_space<hbm>> -> memref<10240000xf32, #tpu.memory_space<hbm>>
    tpu.enqueue_indirect_dma source(%dma_start3A_7 : memref<10240000xf32, #tpu.memory_space<hbm>>) target(%dma_start3A_3 : memref<2000xf32, #tpu.memory_space<vmem>>) offsets(%dma_start3A_5 : memref<2000xi32, #tpu.memory_space<vmem>>) semaphore(%arg7 : memref<!tpu.dma_semaphore, #tpu.memory_space<semaphore_mem>>)
    %dma_start3A_8 = arith.constant 2000 : i32
    %dma_start3A_9 = tpu.memref_slice %arg6[%dma_start3A_8] : memref<10000xf32, #tpu.memory_space<vmem>> -> memref<2000xf32, #tpu.memory_space<vmem>>
    %dma_start3A_10 = arith.constant 2000 : i32
    %dma_start3A_11 = tpu.memref_slice %arg5[%dma_start3A_10] : memref<10000xi32, #tpu.memory_space<vmem>> -> memref<2000xi32, #tpu.memory_space<vmem>>
    %dma_start3A_12 = arith.constant 0 : i32
    %dma_start3A_13 = tpu.memref_slice %arg2[%dma_start3A_12] : memref<10240000xf32, #tpu.memory_space<hbm>> -> memref<10240000xf32, #tpu.memory_space<hbm>>
    tpu.enqueue_indirect_dma source(%dma_start3A_13 : memref<10240000xf32, #tpu.memory_space<hbm>>) target(%dma_start3A_9 : memref<2000xf32, #tpu.memory_space<vmem>>) offsets(%dma_start3A_11 : memref<2000xi32, #tpu.memory_space<vmem>>) semaphore(%arg7 : memref<!tpu.dma_semaphore, #tpu.memory_space<semaphore_mem>>)
    %dma_start3A_14 = arith.constant 4000 : i32
    %dma_start3A_15 = tpu.memref_slice %arg6[%dma_start3A_14] : memref<10000xf32, #tpu.memory_space<vmem>> -> memref<2000xf32, #tpu.memory_space<vmem>>
    %dma_start3A_16 = arith.constant 4000 : i32
    %dma_start3A_17 = tpu.memref_slice %arg5[%dma_start3A_16] : memref<10000xi32, #tpu.memory_space<vmem>> -> memref<2000xi32, #tpu.memory_space<vmem>>
    %dma_start3A_18 = arith.constant 0 : i32
    %dma_start3A_19 = tpu.memref_slice %arg2[%dma_start3A_18] : memref<10240000xf32, #tpu.memory_space<hbm>> -> memref<10240000xf32, #tpu.memory_space<hbm>>
    tpu.enqueue_indirect_dma source(%dma_start3A_19 : memref<10240000xf32, #tpu.memory_space<hbm>>) target(%dma_start3A_15 : memref<2000xf32, #tpu.memory_space<vmem>>) offsets(%dma_start3A_17 : memref<2000xi32, #tpu.memory_space<vmem>>) semaphore(%arg7 : memref<!tpu.dma_semaphore, #tpu.memory_space<semaphore_mem>>)
    %dma_start3A_20 = arith.constant 6000 : i32
    %dma_start3A_21 = tpu.memref_slice %arg6[%dma_start3A_20] : memref<10000xf32, #tpu.memory_space<vmem>> -> memref<2000xf32, #tpu.memory_space<vmem>>
    %dma_start3A_22 = arith.constant 6000 : i32
    %dma_start3A_23 = tpu.memref_slice %arg5[%dma_start3A_22] : memref<10000xi32, #tpu.memory_space<vmem>> -> memref<2000xi32, #tpu.memory_space<vmem>>
    %dma_start3A_24 = arith.constant 0 : i32
    %dma_start3A_25 = tpu.memref_slice %arg2[%dma_start3A_24] : memref<10240000xf32, #tpu.memory_space<hbm>> -> memref<10240000xf32, #tpu.memory_space<hbm>>
    tpu.enqueue_indirect_dma source(%dma_start3A_25 : memref<10240000xf32, #tpu.memory_space<hbm>>) target(%dma_start3A_21 : memref<2000xf32, #tpu.memory_space<vmem>>) offsets(%dma_start3A_23 : memref<2000xi32, #tpu.memory_space<vmem>>) semaphore(%arg7 : memref<!tpu.dma_semaphore, #tpu.memory_space<semaphore_mem>>)
    %dma_start3A_26 = arith.constant 8000 : i32
    %dma_start3A_27 = tpu.memref_slice %arg6[%dma_start3A_26] : memref<10000xf32, #tpu.memory_space<vmem>> -> memref<2000xf32, #tpu.memory_space<vmem>>
    %dma_start3A_28 = arith.constant 8000 : i32
    %dma_start3A_29 = tpu.memref_slice %arg5[%dma_start3A_28] : memref<10000xi32, #tpu.memory_space<vmem>> -> memref<2000xi32, #tpu.memory_space<vmem>>
    %dma_start3A_30 = arith.constant 0 : i32
    %dma_start3A_31 = tpu.memref_slice %arg2[%dma_start3A_30] : memref<10240000xf32, #tpu.memory_space<hbm>> -> memref<10240000xf32, #tpu.memory_space<hbm>>
    tpu.enqueue_indirect_dma source(%dma_start3A_31 : memref<10240000xf32, #tpu.memory_space<hbm>>) target(%dma_start3A_27 : memref<2000xf32, #tpu.memory_space<vmem>>) offsets(%dma_start3A_29 : memref<2000xi32, #tpu.memory_space<vmem>>) semaphore(%arg7 : memref<!tpu.dma_semaphore, #tpu.memory_space<semaphore_mem>>)
    %dma_wait3A = arith.constant 0 : i32
    %dma_wait3A_32 = tpu.memref_slice %arg6[%dma_wait3A] : memref<10000xf32, #tpu.memory_space<vmem>> -> memref<2000xf32, #tpu.memory_space<vmem>>
    %dma_wait3A_33 = arith.constant 0 : i32
    %dma_wait3A_34 = tpu.memref_slice %arg5[%dma_wait3A_33] : memref<10000xi32, #tpu.memory_space<vmem>> -> memref<2000xi32, #tpu.memory_space<vmem>>
    %dma_wait3A_35 = arith.constant 0 : i32
    %dma_wait3A_36 = tpu.memref_slice %arg2[%dma_wait3A_35] : memref<10240000xf32, #tpu.memory_space<hbm>> -> memref<10240000xf32, #tpu.memory_space<hbm>>
    tpu.wait_indirect_dma semaphore(%arg7 : memref<!tpu.dma_semaphore, #tpu.memory_space<semaphore_mem>>) src(%dma_wait3A_36 : memref<10240000xf32, #tpu.memory_space<hbm>>) dst(%dma_wait3A_32 : memref<2000xf32, #tpu.memory_space<vmem>>)
    %add3A_37 = arith.constant 0 : i32
    %add3A_38 = arith.addi %mul3A_2, %add3A_37 : i32
    %dma_start3A_39 = arith.constant 0 : i32
    %dma_start3A_40 = tpu.memref_slice %arg6[%dma_start3A_39] : memref<10000xf32, #tpu.memory_space<vmem>> -> memref<2000xf32, #tpu.memory_space<vmem>>
    %dma_start3A_41 = tpu.memref_slice %arg4[%add3A_38] : memref<320000xf32, #tpu.memory_space<hbm>> -> memref<2000xf32, #tpu.memory_space<hbm>>
    %dma_start3A_42 = tpu.memref_slice %arg4[%add3A_38] : memref<320000xf32, #tpu.memory_space<hbm>> -> memref<2000xf32, #tpu.memory_space<hbm>>
    %dma_start3A_43 = arith.constant 0 : i32
    %dma_start3A_44 = tpu.memref_slice %arg6[%dma_start3A_43] : memref<10000xf32, #tpu.memory_space<vmem>> -> memref<2000xf32, #tpu.memory_space<vmem>>
    tpu.enqueue_dma source(%dma_start3A_44 : memref<2000xf32, #tpu.memory_space<vmem>>) target(%dma_start3A_42 : memref<2000xf32, #tpu.memory_space<hbm>>) target_semaphore(%arg8 : memref<!tpu.dma_semaphore, #tpu.memory_space<semaphore_mem>>)
    %dma_wait3A_45 = arith.constant 2000 : i32
    %dma_wait3A_46 = tpu.memref_slice %arg6[%dma_wait3A_45] : memref<10000xf32, #tpu.memory_space<vmem>> -> memref<2000xf32, #tpu.memory_space<vmem>>
    %dma_wait3A_47 = arith.constant 2000 : i32
    %dma_wait3A_48 = tpu.memref_slice %arg5[%dma_wait3A_47] : memref<10000xi32, #tpu.memory_space<vmem>> -> memref<2000xi32, #tpu.memory_space<vmem>>
    %dma_wait3A_49 = arith.constant 0 : i32
    %dma_wait3A_50 = tpu.memref_slice %arg2[%dma_wait3A_49] : memref<10240000xf32, #tpu.memory_space<hbm>> -> memref<10240000xf32, #tpu.memory_space<hbm>>
    tpu.wait_indirect_dma semaphore(%arg7 : memref<!tpu.dma_semaphore, #tpu.memory_space<semaphore_mem>>) src(%dma_wait3A_50 : memref<10240000xf32, #tpu.memory_space<hbm>>) dst(%dma_wait3A_46 : memref<2000xf32, #tpu.memory_space<vmem>>)
    %add3A_51 = arith.constant 2000 : i32
    %add3A_52 = arith.addi %mul3A_2, %add3A_51 : i32
    %dma_start3A_53 = arith.constant 2000 : i32
    %dma_start3A_54 = tpu.memref_slice %arg6[%dma_start3A_53] : memref<10000xf32, #tpu.memory_space<vmem>> -> memref<2000xf32, #tpu.memory_space<vmem>>
    %dma_start3A_55 = tpu.memref_slice %arg4[%add3A_52] : memref<320000xf32, #tpu.memory_space<hbm>> -> memref<2000xf32, #tpu.memory_space<hbm>>
    %dma_start3A_56 = tpu.memref_slice %arg4[%add3A_52] : memref<320000xf32, #tpu.memory_space<hbm>> -> memref<2000xf32, #tpu.memory_space<hbm>>
    %dma_start3A_57 = arith.constant 2000 : i32
    %dma_start3A_58 = tpu.memref_slice %arg6[%dma_start3A_57] : memref<10000xf32, #tpu.memory_space<vmem>> -> memref<2000xf32, #tpu.memory_space<vmem>>
    tpu.enqueue_dma source(%dma_start3A_58 : memref<2000xf32, #tpu.memory_space<vmem>>) target(%dma_start3A_56 : memref<2000xf32, #tpu.memory_space<hbm>>) target_semaphore(%arg8 : memref<!tpu.dma_semaphore, #tpu.memory_space<semaphore_mem>>)
    %dma_wait3A_59 = arith.constant 4000 : i32
    %dma_wait3A_60 = tpu.memref_slice %arg6[%dma_wait3A_59] : memref<10000xf32, #tpu.memory_space<vmem>> -> memref<2000xf32, #tpu.memory_space<vmem>>
    %dma_wait3A_61 = arith.constant 4000 : i32
    %dma_wait3A_62 = tpu.memref_slice %arg5[%dma_wait3A_61] : memref<10000xi32, #tpu.memory_space<vmem>> -> memref<2000xi32, #tpu.memory_space<vmem>>
    %dma_wait3A_63 = arith.constant 0 : i32
    %dma_wait3A_64 = tpu.memref_slice %arg2[%dma_wait3A_63] : memref<10240000xf32, #tpu.memory_space<hbm>> -> memref<10240000xf32, #tpu.memory_space<hbm>>
    tpu.wait_indirect_dma semaphore(%arg7 : memref<!tpu.dma_semaphore, #tpu.memory_space<semaphore_mem>>) src(%dma_wait3A_64 : memref<10240000xf32, #tpu.memory_space<hbm>>) dst(%dma_wait3A_60 : memref<2000xf32, #tpu.memory_space<vmem>>)
    %add3A_65 = arith.constant 4000 : i32
    %add3A_66 = arith.addi %mul3A_2, %add3A_65 : i32
    %dma_start3A_67 = arith.constant 4000 : i32
    %dma_start3A_68 = tpu.memref_slice %arg6[%dma_start3A_67] : memref<10000xf32, #tpu.memory_space<vmem>> -> memref<2000xf32, #tpu.memory_space<vmem>>
    %dma_start3A_69 = tpu.memref_slice %arg4[%add3A_66] : memref<320000xf32, #tpu.memory_space<hbm>> -> memref<2000xf32, #tpu.memory_space<hbm>>
    %dma_start3A_70 = tpu.memref_slice %arg4[%add3A_66] : memref<320000xf32, #tpu.memory_space<hbm>> -> memref<2000xf32, #tpu.memory_space<hbm>>
    %dma_start3A_71 = arith.constant 4000 : i32
    %dma_start3A_72 = tpu.memref_slice %arg6[%dma_start3A_71] : memref<10000xf32, #tpu.memory_space<vmem>> -> memref<2000xf32, #tpu.memory_space<vmem>>
    tpu.enqueue_dma source(%dma_start3A_72 : memref<2000xf32, #tpu.memory_space<vmem>>) target(%dma_start3A_70 : memref<2000xf32, #tpu.memory_space<hbm>>) target_semaphore(%arg8 : memref<!tpu.dma_semaphore, #tpu.memory_space<semaphore_mem>>)
    %dma_wait3A_73 = arith.constant 6000 : i32
    %dma_wait3A_74 = tpu.memref_slice %arg6[%dma_wait3A_73] : memref<10000xf32, #tpu.memory_space<vmem>> -> memref<2000xf32, #tpu.memory_space<vmem>>
    %dma_wait3A_75 = arith.constant 6000 : i32
    %dma_wait3A_76 = tpu.memref_slice %arg5[%dma_wait3A_75] : memref<10000xi32, #tpu.memory_space<vmem>> -> memref<2000xi32, #tpu.memory_space<vmem>>
    %dma_wait3A_77 = arith.constant 0 : i32
    %dma_wait3A_78 = tpu.memref_slice %arg2[%dma_wait3A_77] : memref<10240000xf32, #tpu.memory_space<hbm>> -> memref<10240000xf32, #tpu.memory_space<hbm>>
    tpu.wait_indirect_dma semaphore(%arg7 : memref<!tpu.dma_semaphore, #tpu.memory_space<semaphore_mem>>) src(%dma_wait3A_78 : memref<10240000xf32, #tpu.memory_space<hbm>>) dst(%dma_wait3A_74 : memref<2000xf32, #tpu.memory_space<vmem>>)
    %add3A_79 = arith.constant 6000 : i32
    %add3A_80 = arith.addi %mul3A_2, %add3A_79 : i32
    %dma_start3A_81 = arith.constant 6000 : i32
    %dma_start3A_82 = tpu.memref_slice %arg6[%dma_start3A_81] : memref<10000xf32, #tpu.memory_space<vmem>> -> memref<2000xf32, #tpu.memory_space<vmem>>
    %dma_start3A_83 = tpu.memref_slice %arg4[%add3A_80] : memref<320000xf32, #tpu.memory_space<hbm>> -> memref<2000xf32, #tpu.memory_space<hbm>>
    %dma_start3A_84 = tpu.memref_slice %arg4[%add3A_80] : memref<320000xf32, #tpu.memory_space<hbm>> -> memref<2000xf32, #tpu.memory_space<hbm>>
    %dma_start3A_85 = arith.constant 6000 : i32
    %dma_start3A_86 = tpu.memref_slice %arg6[%dma_start3A_85] : memref<10000xf32, #tpu.memory_space<vmem>> -> memref<2000xf32, #tpu.memory_space<vmem>>
    tpu.enqueue_dma source(%dma_start3A_86 : memref<2000xf32, #tpu.memory_space<vmem>>) target(%dma_start3A_84 : memref<2000xf32, #tpu.memory_space<hbm>>) target_semaphore(%arg8 : memref<!tpu.dma_semaphore, #tpu.memory_space<semaphore_mem>>)
    %dma_wait3A_87 = arith.constant 8000 : i32
    %dma_wait3A_88 = tpu.memref_slice %arg6[%dma_wait3A_87] : memref<10000xf32, #tpu.memory_space<vmem>> -> memref<2000xf32, #tpu.memory_space<vmem>>
    %dma_wait3A_89 = arith.constant 8000 : i32
    %dma_wait3A_90 = tpu.memref_slice %arg5[%dma_wait3A_89] : memref<10000xi32, #tpu.memory_space<vmem>> -> memref<2000xi32, #tpu.memory_space<vmem>>
    %dma_wait3A_91 = arith.constant 0 : i32
    %dma_wait3A_92 = tpu.memref_slice %arg2[%dma_wait3A_91] : memref<10240000xf32, #tpu.memory_space<hbm>> -> memref<10240000xf32, #tpu.memory_space<hbm>>
    tpu.wait_indirect_dma semaphore(%arg7 : memref<!tpu.dma_semaphore, #tpu.memory_space<semaphore_mem>>) src(%dma_wait3A_92 : memref<10240000xf32, #tpu.memory_space<hbm>>) dst(%dma_wait3A_88 : memref<2000xf32, #tpu.memory_space<vmem>>)
    %add3A_93 = arith.constant 8000 : i32
    %add3A_94 = arith.addi %mul3A_2, %add3A_93 : i32
    %dma_start3A_95 = arith.constant 8000 : i32
    %dma_start3A_96 = tpu.memref_slice %arg6[%dma_start3A_95] : memref<10000xf32, #tpu.memory_space<vmem>> -> memref<2000xf32, #tpu.memory_space<vmem>>
    %dma_start3A_97 = tpu.memref_slice %arg4[%add3A_94] : memref<320000xf32, #tpu.memory_space<hbm>> -> memref<2000xf32, #tpu.memory_space<hbm>>
    %dma_start3A_98 = tpu.memref_slice %arg4[%add3A_94] : memref<320000xf32, #tpu.memory_space<hbm>> -> memref<2000xf32, #tpu.memory_space<hbm>>
    %dma_start3A_99 = arith.constant 8000 : i32
    %dma_start3A_100 = tpu.memref_slice %arg6[%dma_start3A_99] : memref<10000xf32, #tpu.memory_space<vmem>> -> memref<2000xf32, #tpu.memory_space<vmem>>
    tpu.enqueue_dma source(%dma_start3A_100 : memref<2000xf32, #tpu.memory_space<vmem>>) target(%dma_start3A_98 : memref<2000xf32, #tpu.memory_space<hbm>>) target_semaphore(%arg8 : memref<!tpu.dma_semaphore, #tpu.memory_space<semaphore_mem>>)
    %dma_wait3A_101 = arith.constant 0 : i32
    %dma_wait3A_102 = tpu.memref_slice %arg6[%dma_wait3A_101] : memref<10000xf32, #tpu.memory_space<vmem>> -> memref<2000xf32, #tpu.memory_space<vmem>>
    %dma_wait3A_103 = tpu.memref_slice %arg4[%add3A_38] : memref<320000xf32, #tpu.memory_space<hbm>> -> memref<2000xf32, #tpu.memory_space<hbm>>
    %dma_wait3A_104 = tpu.memref_slice %arg4[%add3A_38] : memref<320000xf32, #tpu.memory_space<hbm>> -> memref<2000xf32, #tpu.memory_space<hbm>>
    %dma_wait3A_105 = arith.constant 0 : i32
    %dma_wait3A_106 = tpu.memref_slice %arg6[%dma_wait3A_105] : memref<10000xf32, #tpu.memory_space<vmem>> -> memref<2000xf32, #tpu.memory_space<vmem>>
    tpu.wait_dma2 semaphore(%arg8 : memref<!tpu.dma_semaphore, #tpu.memory_space<semaphore_mem>>) src(%dma_wait3A_106 : memref<2000xf32, #tpu.memory_space<vmem>>) dst(%dma_wait3A_104 : memref<2000xf32, #tpu.memory_space<hbm>>)
    %dma_wait3A_107 = arith.constant 2000 : i32
    %dma_wait3A_108 = tpu.memref_slice %arg6[%dma_wait3A_107] : memref<10000xf32, #tpu.memory_space<vmem>> -> memref<2000xf32, #tpu.memory_space<vmem>>
    %dma_wait3A_109 = tpu.memref_slice %arg4[%add3A_52] : memref<320000xf32, #tpu.memory_space<hbm>> -> memref<2000xf32, #tpu.memory_space<hbm>>
    %dma_wait3A_110 = tpu.memref_slice %arg4[%add3A_52] : memref<320000xf32, #tpu.memory_space<hbm>> -> memref<2000xf32, #tpu.memory_space<hbm>>
    %dma_wait3A_111 = arith.constant 2000 : i32
    %dma_wait3A_112 = tpu.memref_slice %arg6[%dma_wait3A_111] : memref<10000xf32, #tpu.memory_space<vmem>> -> memref<2000xf32, #tpu.memory_space<vmem>>
    tpu.wait_dma2 semaphore(%arg8 : memref<!tpu.dma_semaphore, #tpu.memory_space<semaphore_mem>>) src(%dma_wait3A_112 : memref<2000xf32, #tpu.memory_space<vmem>>) dst(%dma_wait3A_110 : memref<2000xf32, #tpu.memory_space<hbm>>)
    %dma_wait3A_113 = arith.constant 4000 : i32
    %dma_wait3A_114 = tpu.memref_slice %arg6[%dma_wait3A_113] : memref<10000xf32, #tpu.memory_space<vmem>> -> memref<2000xf32, #tpu.memory_space<vmem>>
    %dma_wait3A_115 = tpu.memref_slice %arg4[%add3A_66] : memref<320000xf32, #tpu.memory_space<hbm>> -> memref<2000xf32, #tpu.memory_space<hbm>>
    %dma_wait3A_116 = tpu.memref_slice %arg4[%add3A_66] : memref<320000xf32, #tpu.memory_space<hbm>> -> memref<2000xf32, #tpu.memory_space<hbm>>
    %dma_wait3A_117 = arith.constant 4000 : i32
    %dma_wait3A_118 = tpu.memref_slice %arg6[%dma_wait3A_117] : memref<10000xf32, #tpu.memory_space<vmem>> -> memref<2000xf32, #tpu.memory_space<vmem>>
    tpu.wait_dma2 semaphore(%arg8 : memref<!tpu.dma_semaphore, #tpu.memory_space<semaphore_mem>>) src(%dma_wait3A_118 : memref<2000xf32, #tpu.memory_space<vmem>>) dst(%dma_wait3A_116 : memref<2000xf32, #tpu.memory_space<hbm>>)
    %dma_wait3A_119 = arith.constant 6000 : i32
    %dma_wait3A_120 = tpu.memref_slice %arg6[%dma_wait3A_119] : memref<10000xf32, #tpu.memory_space<vmem>> -> memref<2000xf32, #tpu.memory_space<vmem>>
    %dma_wait3A_121 = tpu.memref_slice %arg4[%add3A_80] : memref<320000xf32, #tpu.memory_space<hbm>> -> memref<2000xf32, #tpu.memory_space<hbm>>
    %dma_wait3A_122 = tpu.memref_slice %arg4[%add3A_80] : memref<320000xf32, #tpu.memory_space<hbm>> -> memref<2000xf32, #tpu.memory_space<hbm>>
    %dma_wait3A_123 = arith.constant 6000 : i32
    %dma_wait3A_124 = tpu.memref_slice %arg6[%dma_wait3A_123] : memref<10000xf32, #tpu.memory_space<vmem>> -> memref<2000xf32, #tpu.memory_space<vmem>>
    tpu.wait_dma2 semaphore(%arg8 : memref<!tpu.dma_semaphore, #tpu.memory_space<semaphore_mem>>) src(%dma_wait3A_124 : memref<2000xf32, #tpu.memory_space<vmem>>) dst(%dma_wait3A_122 : memref<2000xf32, #tpu.memory_space<hbm>>)
    %dma_wait3A_125 = arith.constant 8000 : i32
    %dma_wait3A_126 = tpu.memref_slice %arg6[%dma_wait3A_125] : memref<10000xf32, #tpu.memory_space<vmem>> -> memref<2000xf32, #tpu.memory_space<vmem>>
    %dma_wait3A_127 = tpu.memref_slice %arg4[%add3A_94] : memref<320000xf32, #tpu.memory_space<hbm>> -> memref<2000xf32, #tpu.memory_space<hbm>>
    %dma_wait3A_128 = tpu.memref_slice %arg4[%add3A_94] : memref<320000xf32, #tpu.memory_space<hbm>> -> memref<2000xf32, #tpu.memory_space<hbm>>
    %dma_wait3A_129 = arith.constant 8000 : i32
    %dma_wait3A_130 = tpu.memref_slice %arg6[%dma_wait3A_129] : memref<10000xf32, #tpu.memory_space<vmem>> -> memref<2000xf32, #tpu.memory_space<vmem>>
    tpu.wait_dma2 semaphore(%arg8 : memref<!tpu.dma_semaphore, #tpu.memory_space<semaphore_mem>>) src(%dma_wait3A_130 : memref<2000xf32, #tpu.memory_space<vmem>>) dst(%dma_wait3A_128 : memref<2000xf32, #tpu.memory_space<hbm>>)
    return
  }
}

#map = affine_map<(d0, d1) -> (0)>
module attributes {stable_mosaic.version = 14 : i64} {
  func.func @_gather2_body(%arg0: i32, %arg1: i32, %arg2: memref<10240000xf32, #tpu.memory_space<hbm>>, %arg3: memref<320000xi32, #tpu.memory_space<hbm>>, %arg4: memref<320000xf32, #tpu.memory_space<hbm>>, %arg5: memref<320000xf32, #tpu.memory_space<hbm>>, %arg6: memref<10000xi32, #tpu.memory_space<vmem>>, %arg7: memref<10000xf32, #tpu.memory_space<vmem>>, %arg8: memref<10000xf32, #tpu.memory_space<vmem>>, %arg9: memref<10000xf32, #tpu.memory_space<vmem>>, %arg10: memref<!tpu.dma_semaphore, #tpu.memory_space<semaphore_mem>>, %arg11: memref<!tpu.dma_semaphore, #tpu.memory_space<semaphore_mem>>) attributes {dimension_semantics = [#tpu.dimension_semantics<core_parallel>, #tpu.dimension_semantics<subcore_parallel>], iteration_bounds = array<i64: 2, 16>, scalar_prefetch = 0 : i64, scratch_operands = 6 : i64, tpu.core_type = #tpu.core_type<sc_vector_subcore>, window_params = [{transform_indices = #map}, {transform_indices = #map}, {transform_indices = #map}, {transform_indices = #map}]} {
    %mul3A = arith.constant 2 : i32
    %mul3A_0 = arith.muli %arg1, %mul3A : i32
    %add3A = arith.addi %mul3A_0, %arg0 : i32
    %mul3A_1 = arith.constant 10000 : i32
    %mul3A_2 = arith.muli %add3A, %mul3A_1 : i32
    "tpu.region"() ({
      %run_scoped3A = tpu.sem_alloc : memref<!tpu.dma_semaphore, #tpu.memory_space<semaphore_mem>>
      %dma_start3A_145 = tpu.memref_slice %arg3[%mul3A_2] : memref<320000xi32, #tpu.memory_space<hbm>> -> memref<10000xi32, #tpu.memory_space<hbm>>
      %dma_start3A_146 = tpu.memref_slice %arg3[%mul3A_2] : memref<320000xi32, #tpu.memory_space<hbm>> -> memref<10000xi32, #tpu.memory_space<hbm>>
      tpu.enqueue_dma source(%dma_start3A_146 : memref<10000xi32, #tpu.memory_space<hbm>>) target(%arg6 : memref<10000xi32, #tpu.memory_space<vmem>>) target_semaphore(%run_scoped3A : memref<!tpu.dma_semaphore, #tpu.memory_space<semaphore_mem>>)
      %dma_wait3A_147 = tpu.memref_slice %arg3[%mul3A_2] : memref<320000xi32, #tpu.memory_space<hbm>> -> memref<10000xi32, #tpu.memory_space<hbm>>
      %dma_wait3A_148 = tpu.memref_slice %arg3[%mul3A_2] : memref<320000xi32, #tpu.memory_space<hbm>> -> memref<10000xi32, #tpu.memory_space<hbm>>
      tpu.wait_dma2 semaphore(%run_scoped3A : memref<!tpu.dma_semaphore, #tpu.memory_space<semaphore_mem>>) src(%dma_wait3A_148 : memref<10000xi32, #tpu.memory_space<hbm>>) dst(%arg6 : memref<10000xi32, #tpu.memory_space<vmem>>)
      tpu.yield
    }) : () -> ()
    %dma_start3A = arith.constant 0 : i32
    %dma_start3A_3 = tpu.memref_slice %arg7[%dma_start3A] : memref<10000xf32, #tpu.memory_space<vmem>> -> memref<2000xf32, #tpu.memory_space<vmem>>
    %dma_start3A_4 = arith.constant 0 : i32
    %dma_start3A_5 = tpu.memref_slice %arg6[%dma_start3A_4] : memref<10000xi32, #tpu.memory_space<vmem>> -> memref<2000xi32, #tpu.memory_space<vmem>>
    %dma_start3A_6 = arith.constant 0 : i32
    %dma_start3A_7 = tpu.memref_slice %arg2[%dma_start3A_6] : memref<10240000xf32, #tpu.memory_space<hbm>> -> memref<10240000xf32, #tpu.memory_space<hbm>>
    tpu.enqueue_indirect_dma source(%dma_start3A_7 : memref<10240000xf32, #tpu.memory_space<hbm>>) target(%dma_start3A_3 : memref<2000xf32, #tpu.memory_space<vmem>>) offsets(%dma_start3A_5 : memref<2000xi32, #tpu.memory_space<vmem>>) semaphore(%arg10 : memref<!tpu.dma_semaphore, #tpu.memory_space<semaphore_mem>>)
    %dma_start3A_8 = arith.constant 2000 : i32
    %dma_start3A_9 = tpu.memref_slice %arg7[%dma_start3A_8] : memref<10000xf32, #tpu.memory_space<vmem>> -> memref<2000xf32, #tpu.memory_space<vmem>>
    %dma_start3A_10 = arith.constant 2000 : i32
    %dma_start3A_11 = tpu.memref_slice %arg6[%dma_start3A_10] : memref<10000xi32, #tpu.memory_space<vmem>> -> memref<2000xi32, #tpu.memory_space<vmem>>
    %dma_start3A_12 = arith.constant 0 : i32
    %dma_start3A_13 = tpu.memref_slice %arg2[%dma_start3A_12] : memref<10240000xf32, #tpu.memory_space<hbm>> -> memref<10240000xf32, #tpu.memory_space<hbm>>
    tpu.enqueue_indirect_dma source(%dma_start3A_13 : memref<10240000xf32, #tpu.memory_space<hbm>>) target(%dma_start3A_9 : memref<2000xf32, #tpu.memory_space<vmem>>) offsets(%dma_start3A_11 : memref<2000xi32, #tpu.memory_space<vmem>>) semaphore(%arg10 : memref<!tpu.dma_semaphore, #tpu.memory_space<semaphore_mem>>)
    %dma_start3A_14 = arith.constant 4000 : i32
    %dma_start3A_15 = tpu.memref_slice %arg7[%dma_start3A_14] : memref<10000xf32, #tpu.memory_space<vmem>> -> memref<2000xf32, #tpu.memory_space<vmem>>
    %dma_start3A_16 = arith.constant 4000 : i32
    %dma_start3A_17 = tpu.memref_slice %arg6[%dma_start3A_16] : memref<10000xi32, #tpu.memory_space<vmem>> -> memref<2000xi32, #tpu.memory_space<vmem>>
    %dma_start3A_18 = arith.constant 0 : i32
    %dma_start3A_19 = tpu.memref_slice %arg2[%dma_start3A_18] : memref<10240000xf32, #tpu.memory_space<hbm>> -> memref<10240000xf32, #tpu.memory_space<hbm>>
    tpu.enqueue_indirect_dma source(%dma_start3A_19 : memref<10240000xf32, #tpu.memory_space<hbm>>) target(%dma_start3A_15 : memref<2000xf32, #tpu.memory_space<vmem>>) offsets(%dma_start3A_17 : memref<2000xi32, #tpu.memory_space<vmem>>) semaphore(%arg10 : memref<!tpu.dma_semaphore, #tpu.memory_space<semaphore_mem>>)
    %dma_start3A_20 = arith.constant 6000 : i32
    %dma_start3A_21 = tpu.memref_slice %arg7[%dma_start3A_20] : memref<10000xf32, #tpu.memory_space<vmem>> -> memref<2000xf32, #tpu.memory_space<vmem>>
    %dma_start3A_22 = arith.constant 6000 : i32
    %dma_start3A_23 = tpu.memref_slice %arg6[%dma_start3A_22] : memref<10000xi32, #tpu.memory_space<vmem>> -> memref<2000xi32, #tpu.memory_space<vmem>>
    %dma_start3A_24 = arith.constant 0 : i32
    %dma_start3A_25 = tpu.memref_slice %arg2[%dma_start3A_24] : memref<10240000xf32, #tpu.memory_space<hbm>> -> memref<10240000xf32, #tpu.memory_space<hbm>>
    tpu.enqueue_indirect_dma source(%dma_start3A_25 : memref<10240000xf32, #tpu.memory_space<hbm>>) target(%dma_start3A_21 : memref<2000xf32, #tpu.memory_space<vmem>>) offsets(%dma_start3A_23 : memref<2000xi32, #tpu.memory_space<vmem>>) semaphore(%arg10 : memref<!tpu.dma_semaphore, #tpu.memory_space<semaphore_mem>>)
    %dma_start3A_26 = arith.constant 8000 : i32
    %dma_start3A_27 = tpu.memref_slice %arg7[%dma_start3A_26] : memref<10000xf32, #tpu.memory_space<vmem>> -> memref<2000xf32, #tpu.memory_space<vmem>>
    %dma_start3A_28 = arith.constant 8000 : i32
    %dma_start3A_29 = tpu.memref_slice %arg6[%dma_start3A_28] : memref<10000xi32, #tpu.memory_space<vmem>> -> memref<2000xi32, #tpu.memory_space<vmem>>
    %dma_start3A_30 = arith.constant 0 : i32
    %dma_start3A_31 = tpu.memref_slice %arg2[%dma_start3A_30] : memref<10240000xf32, #tpu.memory_space<hbm>> -> memref<10240000xf32, #tpu.memory_space<hbm>>
    tpu.enqueue_indirect_dma source(%dma_start3A_31 : memref<10240000xf32, #tpu.memory_space<hbm>>) target(%dma_start3A_27 : memref<2000xf32, #tpu.memory_space<vmem>>) offsets(%dma_start3A_29 : memref<2000xi32, #tpu.memory_space<vmem>>) semaphore(%arg10 : memref<!tpu.dma_semaphore, #tpu.memory_space<semaphore_mem>>)
    "tpu.region"() ({
      %run_scoped3A = tpu.sem_alloc : memref<!tpu.dma_semaphore, #tpu.memory_space<semaphore_mem>>
      %dma_start3A_145 = tpu.memref_slice %arg4[%mul3A_2] : memref<320000xf32, #tpu.memory_space<hbm>> -> memref<10000xf32, #tpu.memory_space<hbm>>
      %dma_start3A_146 = tpu.memref_slice %arg4[%mul3A_2] : memref<320000xf32, #tpu.memory_space<hbm>> -> memref<10000xf32, #tpu.memory_space<hbm>>
      tpu.enqueue_dma source(%dma_start3A_146 : memref<10000xf32, #tpu.memory_space<hbm>>) target(%arg8 : memref<10000xf32, #tpu.memory_space<vmem>>) target_semaphore(%run_scoped3A : memref<!tpu.dma_semaphore, #tpu.memory_space<semaphore_mem>>)
      %dma_wait3A_147 = tpu.memref_slice %arg4[%mul3A_2] : memref<320000xf32, #tpu.memory_space<hbm>> -> memref<10000xf32, #tpu.memory_space<hbm>>
      %dma_wait3A_148 = tpu.memref_slice %arg4[%mul3A_2] : memref<320000xf32, #tpu.memory_space<hbm>> -> memref<10000xf32, #tpu.memory_space<hbm>>
      tpu.wait_dma2 semaphore(%run_scoped3A : memref<!tpu.dma_semaphore, #tpu.memory_space<semaphore_mem>>) src(%dma_wait3A_148 : memref<10000xf32, #tpu.memory_space<hbm>>) dst(%arg8 : memref<10000xf32, #tpu.memory_space<vmem>>)
      tpu.yield
    }) : () -> ()
    %dma_wait3A = arith.constant 0 : i32
    %dma_wait3A_32 = tpu.memref_slice %arg7[%dma_wait3A] : memref<10000xf32, #tpu.memory_space<vmem>> -> memref<2000xf32, #tpu.memory_space<vmem>>
    %dma_wait3A_33 = arith.constant 0 : i32
    %dma_wait3A_34 = tpu.memref_slice %arg6[%dma_wait3A_33] : memref<10000xi32, #tpu.memory_space<vmem>> -> memref<2000xi32, #tpu.memory_space<vmem>>
    %dma_wait3A_35 = arith.constant 0 : i32
    %dma_wait3A_36 = tpu.memref_slice %arg2[%dma_wait3A_35] : memref<10240000xf32, #tpu.memory_space<hbm>> -> memref<10240000xf32, #tpu.memory_space<hbm>>
    tpu.wait_indirect_dma semaphore(%arg10 : memref<!tpu.dma_semaphore, #tpu.memory_space<semaphore_mem>>) src(%dma_wait3A_36 : memref<10240000xf32, #tpu.memory_space<hbm>>) dst(%dma_wait3A_32 : memref<2000xf32, #tpu.memory_space<vmem>>)
    %parallel_loop3A = arith.constant 0 : i32
    %parallel_loop3A_37 = arith.constant 125 : i32
    %parallel_loop3A_38 = arith.constant 1 : i32
    scf.for %parallel_loop3A_145 = %parallel_loop3A to %parallel_loop3A_37 step %parallel_loop3A_38  : i32 {
      %parallel_loop3A_146 = arith.constant 16 : i32
      %parallel_loop3A_147 = arith.muli %parallel_loop3A_145, %parallel_loop3A_146 : i32
      %parallel_loop3A_148 = arith.constant 0 : i32
      %parallel_loop3A_149 = arith.addi %parallel_loop3A_148, %parallel_loop3A_147 : i32
      %parallel_loop3A_150 = arith.index_cast %parallel_loop3A_149 : i32 to index
      %parallel_loop3A_151 = tpu.vector_load %arg8[%parallel_loop3A_150] {strides = array<i32>} : memref<10000xf32, #tpu.memory_space<vmem>>, vector<16xf32>,
      %parallel_loop3A_152 = arith.index_cast %parallel_loop3A_149 : i32 to index
      %parallel_loop3A_153 = tpu.vector_load %arg7[%parallel_loop3A_152] {strides = array<i32>} : memref<10000xf32, #tpu.memory_space<vmem>>, vector<16xf32>,
      %parallel_loop3A_154 = arith.addf %parallel_loop3A_151, %parallel_loop3A_153 : vector<16xf32>
      %parallel_loop3A_155 = arith.constant 0.000000e+00 : f32
      %parallel_loop3A_156 = vector.broadcast %parallel_loop3A_155 : f32 to vector<16xf32>
      %parallel_loop3A_157 = arith.subf %parallel_loop3A_156, %parallel_loop3A_154 : vector<16xf32>
      %parallel_loop3A_158 = math.exp %parallel_loop3A_157 : vector<16xf32>
      %parallel_loop3A_159 = arith.constant 1.000000e+00 : f32
      %parallel_loop3A_160 = vector.broadcast %parallel_loop3A_159 : f32 to vector<16xf32>
      %parallel_loop3A_161 = arith.addf %parallel_loop3A_160, %parallel_loop3A_158 : vector<16xf32>
      %parallel_loop3A_162 = arith.constant 1.000000e+00 : f32
      %parallel_loop3A_163 = vector.broadcast %parallel_loop3A_162 : f32 to vector<16xf32>
      %parallel_loop3A_164 = arith.divf %parallel_loop3A_163, %parallel_loop3A_161 : vector<16xf32>
      %parallel_loop3A_165 = arith.index_cast %parallel_loop3A_149 : i32 to index
      %parallel_loop3A_166 = tpu.vector_load %arg9[%parallel_loop3A_165] {strides = array<i32>} : memref<10000xf32, #tpu.memory_space<vmem>>, vector<16xf32>,
      tpu.vector_store %arg9[%parallel_loop3A_165], %parallel_loop3A_164 {strides = array<i32>} : memref<10000xf32, #tpu.memory_space<vmem>>, vector<16xf32>,
    } {sc.loop_unroll_factor = 2 : i64, sc.parallel_access}
    %add3A_39 = arith.constant 0 : i32
    %add3A_40 = arith.addi %mul3A_2, %add3A_39 : i32
    %dma_start3A_41 = arith.constant 0 : i32
    %dma_start3A_42 = tpu.memref_slice %arg9[%dma_start3A_41] : memref<10000xf32, #tpu.memory_space<vmem>> -> memref<2000xf32, #tpu.memory_space<vmem>>
    %dma_start3A_43 = tpu.memref_slice %arg5[%add3A_40] : memref<320000xf32, #tpu.memory_space<hbm>> -> memref<2000xf32, #tpu.memory_space<hbm>>
    %dma_start3A_44 = tpu.memref_slice %arg5[%add3A_40] : memref<320000xf32, #tpu.memory_space<hbm>> -> memref<2000xf32, #tpu.memory_space<hbm>>
    %dma_start3A_45 = arith.constant 0 : i32
    %dma_start3A_46 = tpu.memref_slice %arg9[%dma_start3A_45] : memref<10000xf32, #tpu.memory_space<vmem>> -> memref<2000xf32, #tpu.memory_space<vmem>>
    tpu.enqueue_dma source(%dma_start3A_46 : memref<2000xf32, #tpu.memory_space<vmem>>) target(%dma_start3A_44 : memref<2000xf32, #tpu.memory_space<hbm>>) target_semaphore(%arg11 : memref<!tpu.dma_semaphore, #tpu.memory_space<semaphore_mem>>)
    %dma_wait3A_47 = arith.constant 2000 : i32
    %dma_wait3A_48 = tpu.memref_slice %arg7[%dma_wait3A_47] : memref<10000xf32, #tpu.memory_space<vmem>> -> memref<2000xf32, #tpu.memory_space<vmem>>
    %dma_wait3A_49 = arith.constant 2000 : i32
    %dma_wait3A_50 = tpu.memref_slice %arg6[%dma_wait3A_49] : memref<10000xi32, #tpu.memory_space<vmem>> -> memref<2000xi32, #tpu.memory_space<vmem>>
    %dma_wait3A_51 = arith.constant 0 : i32
    %dma_wait3A_52 = tpu.memref_slice %arg2[%dma_wait3A_51] : memref<10240000xf32, #tpu.memory_space<hbm>> -> memref<10240000xf32, #tpu.memory_space<hbm>>
    tpu.wait_indirect_dma semaphore(%arg10 : memref<!tpu.dma_semaphore, #tpu.memory_space<semaphore_mem>>) src(%dma_wait3A_52 : memref<10240000xf32, #tpu.memory_space<hbm>>) dst(%dma_wait3A_48 : memref<2000xf32, #tpu.memory_space<vmem>>)
    %parallel_loop3A_53 = arith.constant 0 : i32
    %parallel_loop3A_54 = arith.constant 125 : i32
    %parallel_loop3A_55 = arith.constant 1 : i32
    scf.for %parallel_loop3A_145 = %parallel_loop3A_53 to %parallel_loop3A_54 step %parallel_loop3A_55  : i32 {
      %parallel_loop3A_146 = arith.constant 16 : i32
      %parallel_loop3A_147 = arith.muli %parallel_loop3A_145, %parallel_loop3A_146 : i32
      %parallel_loop3A_148 = arith.constant 2000 : i32
      %parallel_loop3A_149 = arith.addi %parallel_loop3A_148, %parallel_loop3A_147 : i32
      %parallel_loop3A_150 = arith.index_cast %parallel_loop3A_149 : i32 to index
      %parallel_loop3A_151 = tpu.vector_load %arg8[%parallel_loop3A_150] {strides = array<i32>} : memref<10000xf32, #tpu.memory_space<vmem>>, vector<16xf32>,
      %parallel_loop3A_152 = arith.index_cast %parallel_loop3A_149 : i32 to index
      %parallel_loop3A_153 = tpu.vector_load %arg7[%parallel_loop3A_152] {strides = array<i32>} : memref<10000xf32, #tpu.memory_space<vmem>>, vector<16xf32>,
      %parallel_loop3A_154 = arith.addf %parallel_loop3A_151, %parallel_loop3A_153 : vector<16xf32>
      %parallel_loop3A_155 = arith.constant 0.000000e+00 : f32
      %parallel_loop3A_156 = vector.broadcast %parallel_loop3A_155 : f32 to vector<16xf32>
      %parallel_loop3A_157 = arith.subf %parallel_loop3A_156, %parallel_loop3A_154 : vector<16xf32>
      %parallel_loop3A_158 = math.exp %parallel_loop3A_157 : vector<16xf32>
      %parallel_loop3A_159 = arith.constant 1.000000e+00 : f32
      %parallel_loop3A_160 = vector.broadcast %parallel_loop3A_159 : f32 to vector<16xf32>
      %parallel_loop3A_161 = arith.addf %parallel_loop3A_160, %parallel_loop3A_158 : vector<16xf32>
      %parallel_loop3A_162 = arith.constant 1.000000e+00 : f32
      %parallel_loop3A_163 = vector.broadcast %parallel_loop3A_162 : f32 to vector<16xf32>
      %parallel_loop3A_164 = arith.divf %parallel_loop3A_163, %parallel_loop3A_161 : vector<16xf32>
      %parallel_loop3A_165 = arith.index_cast %parallel_loop3A_149 : i32 to index
      %parallel_loop3A_166 = tpu.vector_load %arg9[%parallel_loop3A_165] {strides = array<i32>} : memref<10000xf32, #tpu.memory_space<vmem>>, vector<16xf32>,
      tpu.vector_store %arg9[%parallel_loop3A_165], %parallel_loop3A_164 {strides = array<i32>} : memref<10000xf32, #tpu.memory_space<vmem>>, vector<16xf32>,
    } {sc.loop_unroll_factor = 2 : i64, sc.parallel_access}
    %add3A_56 = arith.constant 2000 : i32
    %add3A_57 = arith.addi %mul3A_2, %add3A_56 : i32
    %dma_start3A_58 = arith.constant 2000 : i32
    %dma_start3A_59 = tpu.memref_slice %arg9[%dma_start3A_58] : memref<10000xf32, #tpu.memory_space<vmem>> -> memref<2000xf32, #tpu.memory_space<vmem>>
    %dma_start3A_60 = tpu.memref_slice %arg5[%add3A_57] : memref<320000xf32, #tpu.memory_space<hbm>> -> memref<2000xf32, #tpu.memory_space<hbm>>
    %dma_start3A_61 = tpu.memref_slice %arg5[%add3A_57] : memref<320000xf32, #tpu.memory_space<hbm>> -> memref<2000xf32, #tpu.memory_space<hbm>>
    %dma_start3A_62 = arith.constant 2000 : i32
    %dma_start3A_63 = tpu.memref_slice %arg9[%dma_start3A_62] : memref<10000xf32, #tpu.memory_space<vmem>> -> memref<2000xf32, #tpu.memory_space<vmem>>
    tpu.enqueue_dma source(%dma_start3A_63 : memref<2000xf32, #tpu.memory_space<vmem>>) target(%dma_start3A_61 : memref<2000xf32, #tpu.memory_space<hbm>>) target_semaphore(%arg11 : memref<!tpu.dma_semaphore, #tpu.memory_space<semaphore_mem>>)
    %dma_wait3A_64 = arith.constant 4000 : i32
    %dma_wait3A_65 = tpu.memref_slice %arg7[%dma_wait3A_64] : memref<10000xf32, #tpu.memory_space<vmem>> -> memref<2000xf32, #tpu.memory_space<vmem>>
    %dma_wait3A_66 = arith.constant 4000 : i32
    %dma_wait3A_67 = tpu.memref_slice %arg6[%dma_wait3A_66] : memref<10000xi32, #tpu.memory_space<vmem>> -> memref<2000xi32, #tpu.memory_space<vmem>>
    %dma_wait3A_68 = arith.constant 0 : i32
    %dma_wait3A_69 = tpu.memref_slice %arg2[%dma_wait3A_68] : memref<10240000xf32, #tpu.memory_space<hbm>> -> memref<10240000xf32, #tpu.memory_space<hbm>>
    tpu.wait_indirect_dma semaphore(%arg10 : memref<!tpu.dma_semaphore, #tpu.memory_space<semaphore_mem>>) src(%dma_wait3A_69 : memref<10240000xf32, #tpu.memory_space<hbm>>) dst(%dma_wait3A_65 : memref<2000xf32, #tpu.memory_space<vmem>>)
    %parallel_loop3A_70 = arith.constant 0 : i32
    %parallel_loop3A_71 = arith.constant 125 : i32
    %parallel_loop3A_72 = arith.constant 1 : i32
    scf.for %parallel_loop3A_145 = %parallel_loop3A_70 to %parallel_loop3A_71 step %parallel_loop3A_72  : i32 {
      %parallel_loop3A_146 = arith.constant 16 : i32
      %parallel_loop3A_147 = arith.muli %parallel_loop3A_145, %parallel_loop3A_146 : i32
      %parallel_loop3A_148 = arith.constant 4000 : i32
      %parallel_loop3A_149 = arith.addi %parallel_loop3A_148, %parallel_loop3A_147 : i32
      %parallel_loop3A_150 = arith.index_cast %parallel_loop3A_149 : i32 to index
      %parallel_loop3A_151 = tpu.vector_load %arg8[%parallel_loop3A_150] {strides = array<i32>} : memref<10000xf32, #tpu.memory_space<vmem>>, vector<16xf32>,
      %parallel_loop3A_152 = arith.index_cast %parallel_loop3A_149 : i32 to index
      %parallel_loop3A_153 = tpu.vector_load %arg7[%parallel_loop3A_152] {strides = array<i32>} : memref<10000xf32, #tpu.memory_space<vmem>>, vector<16xf32>,
      %parallel_loop3A_154 = arith.addf %parallel_loop3A_151, %parallel_loop3A_153 : vector<16xf32>
      %parallel_loop3A_155 = arith.constant 0.000000e+00 : f32
      %parallel_loop3A_156 = vector.broadcast %parallel_loop3A_155 : f32 to vector<16xf32>
      %parallel_loop3A_157 = arith.subf %parallel_loop3A_156, %parallel_loop3A_154 : vector<16xf32>
      %parallel_loop3A_158 = math.exp %parallel_loop3A_157 : vector<16xf32>
      %parallel_loop3A_159 = arith.constant 1.000000e+00 : f32
      %parallel_loop3A_160 = vector.broadcast %parallel_loop3A_159 : f32 to vector<16xf32>
      %parallel_loop3A_161 = arith.addf %parallel_loop3A_160, %parallel_loop3A_158 : vector<16xf32>
      %parallel_loop3A_162 = arith.constant 1.000000e+00 : f32
      %parallel_loop3A_163 = vector.broadcast %parallel_loop3A_162 : f32 to vector<16xf32>
      %parallel_loop3A_164 = arith.divf %parallel_loop3A_163, %parallel_loop3A_161 : vector<16xf32>
      %parallel_loop3A_165 = arith.index_cast %parallel_loop3A_149 : i32 to index
      %parallel_loop3A_166 = tpu.vector_load %arg9[%parallel_loop3A_165] {strides = array<i32>} : memref<10000xf32, #tpu.memory_space<vmem>>, vector<16xf32>,
      tpu.vector_store %arg9[%parallel_loop3A_165], %parallel_loop3A_164 {strides = array<i32>} : memref<10000xf32, #tpu.memory_space<vmem>>, vector<16xf32>,
    } {sc.loop_unroll_factor = 2 : i64, sc.parallel_access}
    %add3A_73 = arith.constant 4000 : i32
    %add3A_74 = arith.addi %mul3A_2, %add3A_73 : i32
    %dma_start3A_75 = arith.constant 4000 : i32
    %dma_start3A_76 = tpu.memref_slice %arg9[%dma_start3A_75] : memref<10000xf32, #tpu.memory_space<vmem>> -> memref<2000xf32, #tpu.memory_space<vmem>>
    %dma_start3A_77 = tpu.memref_slice %arg5[%add3A_74] : memref<320000xf32, #tpu.memory_space<hbm>> -> memref<2000xf32, #tpu.memory_space<hbm>>
    %dma_start3A_78 = tpu.memref_slice %arg5[%add3A_74] : memref<320000xf32, #tpu.memory_space<hbm>> -> memref<2000xf32, #tpu.memory_space<hbm>>
    %dma_start3A_79 = arith.constant 4000 : i32
    %dma_start3A_80 = tpu.memref_slice %arg9[%dma_start3A_79] : memref<10000xf32, #tpu.memory_space<vmem>> -> memref<2000xf32, #tpu.memory_space<vmem>>
    tpu.enqueue_dma source(%dma_start3A_80 : memref<2000xf32, #tpu.memory_space<vmem>>) target(%dma_start3A_78 : memref<2000xf32, #tpu.memory_space<hbm>>) target_semaphore(%arg11 : memref<!tpu.dma_semaphore, #tpu.memory_space<semaphore_mem>>)
    %dma_wait3A_81 = arith.constant 6000 : i32
    %dma_wait3A_82 = tpu.memref_slice %arg7[%dma_wait3A_81] : memref<10000xf32, #tpu.memory_space<vmem>> -> memref<2000xf32, #tpu.memory_space<vmem>>
    %dma_wait3A_83 = arith.constant 6000 : i32
    %dma_wait3A_84 = tpu.memref_slice %arg6[%dma_wait3A_83] : memref<10000xi32, #tpu.memory_space<vmem>> -> memref<2000xi32, #tpu.memory_space<vmem>>
    %dma_wait3A_85 = arith.constant 0 : i32
    %dma_wait3A_86 = tpu.memref_slice %arg2[%dma_wait3A_85] : memref<10240000xf32, #tpu.memory_space<hbm>> -> memref<10240000xf32, #tpu.memory_space<hbm>>
    tpu.wait_indirect_dma semaphore(%arg10 : memref<!tpu.dma_semaphore, #tpu.memory_space<semaphore_mem>>) src(%dma_wait3A_86 : memref<10240000xf32, #tpu.memory_space<hbm>>) dst(%dma_wait3A_82 : memref<2000xf32, #tpu.memory_space<vmem>>)
    %parallel_loop3A_87 = arith.constant 0 : i32
    %parallel_loop3A_88 = arith.constant 125 : i32
    %parallel_loop3A_89 = arith.constant 1 : i32
    scf.for %parallel_loop3A_145 = %parallel_loop3A_87 to %parallel_loop3A_88 step %parallel_loop3A_89  : i32 {
      %parallel_loop3A_146 = arith.constant 16 : i32
      %parallel_loop3A_147 = arith.muli %parallel_loop3A_145, %parallel_loop3A_146 : i32
      %parallel_loop3A_148 = arith.constant 6000 : i32
      %parallel_loop3A_149 = arith.addi %parallel_loop3A_148, %parallel_loop3A_147 : i32
      %parallel_loop3A_150 = arith.index_cast %parallel_loop3A_149 : i32 to index
      %parallel_loop3A_151 = tpu.vector_load %arg8[%parallel_loop3A_150] {strides = array<i32>} : memref<10000xf32, #tpu.memory_space<vmem>>, vector<16xf32>,
      %parallel_loop3A_152 = arith.index_cast %parallel_loop3A_149 : i32 to index
      %parallel_loop3A_153 = tpu.vector_load %arg7[%parallel_loop3A_152] {strides = array<i32>} : memref<10000xf32, #tpu.memory_space<vmem>>, vector<16xf32>,
      %parallel_loop3A_154 = arith.addf %parallel_loop3A_151, %parallel_loop3A_153 : vector<16xf32>
      %parallel_loop3A_155 = arith.constant 0.000000e+00 : f32
      %parallel_loop3A_156 = vector.broadcast %parallel_loop3A_155 : f32 to vector<16xf32>
      %parallel_loop3A_157 = arith.subf %parallel_loop3A_156, %parallel_loop3A_154 : vector<16xf32>
      %parallel_loop3A_158 = math.exp %parallel_loop3A_157 : vector<16xf32>
      %parallel_loop3A_159 = arith.constant 1.000000e+00 : f32
      %parallel_loop3A_160 = vector.broadcast %parallel_loop3A_159 : f32 to vector<16xf32>
      %parallel_loop3A_161 = arith.addf %parallel_loop3A_160, %parallel_loop3A_158 : vector<16xf32>
      %parallel_loop3A_162 = arith.constant 1.000000e+00 : f32
      %parallel_loop3A_163 = vector.broadcast %parallel_loop3A_162 : f32 to vector<16xf32>
      %parallel_loop3A_164 = arith.divf %parallel_loop3A_163, %parallel_loop3A_161 : vector<16xf32>
      %parallel_loop3A_165 = arith.index_cast %parallel_loop3A_149 : i32 to index
      %parallel_loop3A_166 = tpu.vector_load %arg9[%parallel_loop3A_165] {strides = array<i32>} : memref<10000xf32, #tpu.memory_space<vmem>>, vector<16xf32>,
      tpu.vector_store %arg9[%parallel_loop3A_165], %parallel_loop3A_164 {strides = array<i32>} : memref<10000xf32, #tpu.memory_space<vmem>>, vector<16xf32>,
    } {sc.loop_unroll_factor = 2 : i64, sc.parallel_access}
    %add3A_90 = arith.constant 6000 : i32
    %add3A_91 = arith.addi %mul3A_2, %add3A_90 : i32
    %dma_start3A_92 = arith.constant 6000 : i32
    %dma_start3A_93 = tpu.memref_slice %arg9[%dma_start3A_92] : memref<10000xf32, #tpu.memory_space<vmem>> -> memref<2000xf32, #tpu.memory_space<vmem>>
    %dma_start3A_94 = tpu.memref_slice %arg5[%add3A_91] : memref<320000xf32, #tpu.memory_space<hbm>> -> memref<2000xf32, #tpu.memory_space<hbm>>
    %dma_start3A_95 = tpu.memref_slice %arg5[%add3A_91] : memref<320000xf32, #tpu.memory_space<hbm>> -> memref<2000xf32, #tpu.memory_space<hbm>>
    %dma_start3A_96 = arith.constant 6000 : i32
    %dma_start3A_97 = tpu.memref_slice %arg9[%dma_start3A_96] : memref<10000xf32, #tpu.memory_space<vmem>> -> memref<2000xf32, #tpu.memory_space<vmem>>
    tpu.enqueue_dma source(%dma_start3A_97 : memref<2000xf32, #tpu.memory_space<vmem>>) target(%dma_start3A_95 : memref<2000xf32, #tpu.memory_space<hbm>>) target_semaphore(%arg11 : memref<!tpu.dma_semaphore, #tpu.memory_space<semaphore_mem>>)
    %dma_wait3A_98 = arith.constant 8000 : i32
    %dma_wait3A_99 = tpu.memref_slice %arg7[%dma_wait3A_98] : memref<10000xf32, #tpu.memory_space<vmem>> -> memref<2000xf32, #tpu.memory_space<vmem>>
    %dma_wait3A_100 = arith.constant 8000 : i32
    %dma_wait3A_101 = tpu.memref_slice %arg6[%dma_wait3A_100] : memref<10000xi32, #tpu.memory_space<vmem>> -> memref<2000xi32, #tpu.memory_space<vmem>>
    %dma_wait3A_102 = arith.constant 0 : i32
    %dma_wait3A_103 = tpu.memref_slice %arg2[%dma_wait3A_102] : memref<10240000xf32, #tpu.memory_space<hbm>> -> memref<10240000xf32, #tpu.memory_space<hbm>>
    tpu.wait_indirect_dma semaphore(%arg10 : memref<!tpu.dma_semaphore, #tpu.memory_space<semaphore_mem>>) src(%dma_wait3A_103 : memref<10240000xf32, #tpu.memory_space<hbm>>) dst(%dma_wait3A_99 : memref<2000xf32, #tpu.memory_space<vmem>>)
    %parallel_loop3A_104 = arith.constant 0 : i32
    %parallel_loop3A_105 = arith.constant 125 : i32
    %parallel_loop3A_106 = arith.constant 1 : i32
    scf.for %parallel_loop3A_145 = %parallel_loop3A_104 to %parallel_loop3A_105 step %parallel_loop3A_106  : i32 {
      %parallel_loop3A_146 = arith.constant 16 : i32
      %parallel_loop3A_147 = arith.muli %parallel_loop3A_145, %parallel_loop3A_146 : i32
      %parallel_loop3A_148 = arith.constant 8000 : i32
      %parallel_loop3A_149 = arith.addi %parallel_loop3A_148, %parallel_loop3A_147 : i32
      %parallel_loop3A_150 = arith.index_cast %parallel_loop3A_149 : i32 to index
      %parallel_loop3A_151 = tpu.vector_load %arg8[%parallel_loop3A_150] {strides = array<i32>} : memref<10000xf32, #tpu.memory_space<vmem>>, vector<16xf32>,
      %parallel_loop3A_152 = arith.index_cast %parallel_loop3A_149 : i32 to index
      %parallel_loop3A_153 = tpu.vector_load %arg7[%parallel_loop3A_152] {strides = array<i32>} : memref<10000xf32, #tpu.memory_space<vmem>>, vector<16xf32>,
      %parallel_loop3A_154 = arith.addf %parallel_loop3A_151, %parallel_loop3A_153 : vector<16xf32>
      %parallel_loop3A_155 = arith.constant 0.000000e+00 : f32
      %parallel_loop3A_156 = vector.broadcast %parallel_loop3A_155 : f32 to vector<16xf32>
      %parallel_loop3A_157 = arith.subf %parallel_loop3A_156, %parallel_loop3A_154 : vector<16xf32>
      %parallel_loop3A_158 = math.exp %parallel_loop3A_157 : vector<16xf32>
      %parallel_loop3A_159 = arith.constant 1.000000e+00 : f32
      %parallel_loop3A_160 = vector.broadcast %parallel_loop3A_159 : f32 to vector<16xf32>
      %parallel_loop3A_161 = arith.addf %parallel_loop3A_160, %parallel_loop3A_158 : vector<16xf32>
      %parallel_loop3A_162 = arith.constant 1.000000e+00 : f32
      %parallel_loop3A_163 = vector.broadcast %parallel_loop3A_162 : f32 to vector<16xf32>
      %parallel_loop3A_164 = arith.divf %parallel_loop3A_163, %parallel_loop3A_161 : vector<16xf32>
      %parallel_loop3A_165 = arith.index_cast %parallel_loop3A_149 : i32 to index
      %parallel_loop3A_166 = tpu.vector_load %arg9[%parallel_loop3A_165] {strides = array<i32>} : memref<10000xf32, #tpu.memory_space<vmem>>, vector<16xf32>,
      tpu.vector_store %arg9[%parallel_loop3A_165], %parallel_loop3A_164 {strides = array<i32>} : memref<10000xf32, #tpu.memory_space<vmem>>, vector<16xf32>,
    } {sc.loop_unroll_factor = 2 : i64, sc.parallel_access}
    %add3A_107 = arith.constant 8000 : i32
    %add3A_108 = arith.addi %mul3A_2, %add3A_107 : i32
    %dma_start3A_109 = arith.constant 8000 : i32
    %dma_start3A_110 = tpu.memref_slice %arg9[%dma_start3A_109] : memref<10000xf32, #tpu.memory_space<vmem>> -> memref<2000xf32, #tpu.memory_space<vmem>>
    %dma_start3A_111 = tpu.memref_slice %arg5[%add3A_108] : memref<320000xf32, #tpu.memory_space<hbm>> -> memref<2000xf32, #tpu.memory_space<hbm>>
    %dma_start3A_112 = tpu.memref_slice %arg5[%add3A_108] : memref<320000xf32, #tpu.memory_space<hbm>> -> memref<2000xf32, #tpu.memory_space<hbm>>
    %dma_start3A_113 = arith.constant 8000 : i32
    %dma_start3A_114 = tpu.memref_slice %arg9[%dma_start3A_113] : memref<10000xf32, #tpu.memory_space<vmem>> -> memref<2000xf32, #tpu.memory_space<vmem>>
    tpu.enqueue_dma source(%dma_start3A_114 : memref<2000xf32, #tpu.memory_space<vmem>>) target(%dma_start3A_112 : memref<2000xf32, #tpu.memory_space<hbm>>) target_semaphore(%arg11 : memref<!tpu.dma_semaphore, #tpu.memory_space<semaphore_mem>>)
    %dma_wait3A_115 = arith.constant 0 : i32
    %dma_wait3A_116 = tpu.memref_slice %arg9[%dma_wait3A_115] : memref<10000xf32, #tpu.memory_space<vmem>> -> memref<2000xf32, #tpu.memory_space<vmem>>
    %dma_wait3A_117 = tpu.memref_slice %arg5[%add3A_40] : memref<320000xf32, #tpu.memory_space<hbm>> -> memref<2000xf32, #tpu.memory_space<hbm>>
    %dma_wait3A_118 = tpu.memref_slice %arg5[%add3A_40] : memref<320000xf32, #tpu.memory_space<hbm>> -> memref<2000xf32, #tpu.memory_space<hbm>>
    %dma_wait3A_119 = arith.constant 0 : i32
    %dma_wait3A_120 = tpu.memref_slice %arg9[%dma_wait3A_119] : memref<10000xf32, #tpu.memory_space<vmem>> -> memref<2000xf32, #tpu.memory_space<vmem>>
    tpu.wait_dma2 semaphore(%arg11 : memref<!tpu.dma_semaphore, #tpu.memory_space<semaphore_mem>>) src(%dma_wait3A_120 : memref<2000xf32, #tpu.memory_space<vmem>>) dst(%dma_wait3A_118 : memref<2000xf32, #tpu.memory_space<hbm>>)
    %dma_wait3A_121 = arith.constant 2000 : i32
    %dma_wait3A_122 = tpu.memref_slice %arg9[%dma_wait3A_121] : memref<10000xf32, #tpu.memory_space<vmem>> -> memref<2000xf32, #tpu.memory_space<vmem>>
    %dma_wait3A_123 = tpu.memref_slice %arg5[%add3A_57] : memref<320000xf32, #tpu.memory_space<hbm>> -> memref<2000xf32, #tpu.memory_space<hbm>>
    %dma_wait3A_124 = tpu.memref_slice %arg5[%add3A_57] : memref<320000xf32, #tpu.memory_space<hbm>> -> memref<2000xf32, #tpu.memory_space<hbm>>
    %dma_wait3A_125 = arith.constant 2000 : i32
    %dma_wait3A_126 = tpu.memref_slice %arg9[%dma_wait3A_125] : memref<10000xf32, #tpu.memory_space<vmem>> -> memref<2000xf32, #tpu.memory_space<vmem>>
    tpu.wait_dma2 semaphore(%arg11 : memref<!tpu.dma_semaphore, #tpu.memory_space<semaphore_mem>>) src(%dma_wait3A_126 : memref<2000xf32, #tpu.memory_space<vmem>>) dst(%dma_wait3A_124 : memref<2000xf32, #tpu.memory_space<hbm>>)
    %dma_wait3A_127 = arith.constant 4000 : i32
    %dma_wait3A_128 = tpu.memref_slice %arg9[%dma_wait3A_127] : memref<10000xf32, #tpu.memory_space<vmem>> -> memref<2000xf32, #tpu.memory_space<vmem>>
    %dma_wait3A_129 = tpu.memref_slice %arg5[%add3A_74] : memref<320000xf32, #tpu.memory_space<hbm>> -> memref<2000xf32, #tpu.memory_space<hbm>>
    %dma_wait3A_130 = tpu.memref_slice %arg5[%add3A_74] : memref<320000xf32, #tpu.memory_space<hbm>> -> memref<2000xf32, #tpu.memory_space<hbm>>
    %dma_wait3A_131 = arith.constant 4000 : i32
    %dma_wait3A_132 = tpu.memref_slice %arg9[%dma_wait3A_131] : memref<10000xf32, #tpu.memory_space<vmem>> -> memref<2000xf32, #tpu.memory_space<vmem>>
    tpu.wait_dma2 semaphore(%arg11 : memref<!tpu.dma_semaphore, #tpu.memory_space<semaphore_mem>>) src(%dma_wait3A_132 : memref<2000xf32, #tpu.memory_space<vmem>>) dst(%dma_wait3A_130 : memref<2000xf32, #tpu.memory_space<hbm>>)
    %dma_wait3A_133 = arith.constant 6000 : i32
    %dma_wait3A_134 = tpu.memref_slice %arg9[%dma_wait3A_133] : memref<10000xf32, #tpu.memory_space<vmem>> -> memref<2000xf32, #tpu.memory_space<vmem>>
    %dma_wait3A_135 = tpu.memref_slice %arg5[%add3A_91] : memref<320000xf32, #tpu.memory_space<hbm>> -> memref<2000xf32, #tpu.memory_space<hbm>>
    %dma_wait3A_136 = tpu.memref_slice %arg5[%add3A_91] : memref<320000xf32, #tpu.memory_space<hbm>> -> memref<2000xf32, #tpu.memory_space<hbm>>
    %dma_wait3A_137 = arith.constant 6000 : i32
    %dma_wait3A_138 = tpu.memref_slice %arg9[%dma_wait3A_137] : memref<10000xf32, #tpu.memory_space<vmem>> -> memref<2000xf32, #tpu.memory_space<vmem>>
    tpu.wait_dma2 semaphore(%arg11 : memref<!tpu.dma_semaphore, #tpu.memory_space<semaphore_mem>>) src(%dma_wait3A_138 : memref<2000xf32, #tpu.memory_space<vmem>>) dst(%dma_wait3A_136 : memref<2000xf32, #tpu.memory_space<hbm>>)
    %dma_wait3A_139 = arith.constant 8000 : i32
    %dma_wait3A_140 = tpu.memref_slice %arg9[%dma_wait3A_139] : memref<10000xf32, #tpu.memory_space<vmem>> -> memref<2000xf32, #tpu.memory_space<vmem>>
    %dma_wait3A_141 = tpu.memref_slice %arg5[%add3A_108] : memref<320000xf32, #tpu.memory_space<hbm>> -> memref<2000xf32, #tpu.memory_space<hbm>>
    %dma_wait3A_142 = tpu.memref_slice %arg5[%add3A_108] : memref<320000xf32, #tpu.memory_space<hbm>> -> memref<2000xf32, #tpu.memory_space<hbm>>
    %dma_wait3A_143 = arith.constant 8000 : i32
    %dma_wait3A_144 = tpu.memref_slice %arg9[%dma_wait3A_143] : memref<10000xf32, #tpu.memory_space<vmem>> -> memref<2000xf32, #tpu.memory_space<vmem>>
    tpu.wait_dma2 semaphore(%arg11 : memref<!tpu.dma_semaphore, #tpu.memory_space<semaphore_mem>>) src(%dma_wait3A_144 : memref<2000xf32, #tpu.memory_space<vmem>>) dst(%dma_wait3A_142 : memref<2000xf32, #tpu.memory_space<hbm>>)
    return
  }
}

module attributes {stable_mosaic.version = 14 : i64} {
  func.func @_score_body(%arg0: i32, %arg1: memref<2000x128xf32, #tpu.memory_space<vmem>>, %arg2: memref<128x16xf32, #tpu.memory_space<vmem>>, %arg3: memref<1024x16xf32, #tpu.memory_space<vmem>>, %arg4: memref<2000x8x128xf32, #tpu.memory_space<vmem>>) attributes {dimension_semantics = [#tpu.dimension_semantics<arbitrary>], iteration_bounds = array<i64: 5>, scalar_prefetch = 0 : i64, scratch_operands = 0 : i64, tpu.core_type = #tpu.core_type<tc>, window_params = [{transform_indices = @transform_0, window_bounds = array<i64: 2000, 128>}, {pipeline_mode = #tpu.pipeline_mode<synchronous>, transform_indices = @transform_1, window_bounds = array<i64: 128, 16>}, {pipeline_mode = #tpu.pipeline_mode<synchronous>, transform_indices = @transform_2, window_bounds = array<i64: 1024, 16>}, {transform_indices = @transform_3, window_bounds = array<i64: 2000, 8, 128>}]} {
    %get3A = arith.constant 0 : index
    %get3A_0 = arith.constant 0 : index
    %get3A_1 = vector.load %arg1[%get3A, %get3A_0] : memref<2000x128xf32, #tpu.memory_space<vmem>>, vector<2000x128xf32>
    %get3A_2 = arith.constant 0 : index
    %get3A_3 = arith.constant 0 : index
    %get3A_4 = vector.load %arg2[%get3A_2, %get3A_3] : memref<128x16xf32, #tpu.memory_space<vmem>>, vector<128x16xf32>
    %dot_general3A = arith.constant dense<0.000000e+00> : vector<2000x16xf32>
    %dot_general3A_5 = tpu.matmul %get3A_1, %get3A_4, %dot_general3A {dimension_numbers = #tpu.dot_dimension_numbers<[1], [0], [0], [1], [0, 0, 1, 1], [], []>, transpose_lhs_hint = false} : vector<2000x128xf32>, vector<128x16xf32>, vector<2000x16xf32> -> vector<2000x16xf32>
    %max3A = arith.constant 0.000000e+00 : f32
    %max3A_6 = vector.broadcast %max3A : f32 to vector<2000x16xf32>
    %max3A_7 = arith.maximumf %dot_general3A_5, %max3A_6 : vector<2000x16xf32>
    %get3A_8 = arith.constant 0 : index
    %get3A_9 = arith.constant 0 : index
    %get3A_10 = vector.load %arg3[%get3A_8, %get3A_9] : memref<1024x16xf32, #tpu.memory_space<vmem>>, vector<1024x16xf32>
    %dot_general3A_11 = arith.constant dense<0.000000e+00> : vector<2000x1024xf32>
    %dot_general3A_12 = tpu.matmul %max3A_7, %get3A_10, %dot_general3A_11 {dimension_numbers = #tpu.dot_dimension_numbers<[1], [1], [0], [0], [0, 0, 1, 0], [], []>, transpose_lhs_hint = false} : vector<2000x16xf32>, vector<1024x16xf32>, vector<2000x1024xf32> -> vector<2000x1024xf32>
    %slice3A = vector.extract_strided_slice %dot_general3A_12 {offsets = [0, 0], sizes = [2000, 128], strides = [1, 1]} : vector<2000x1024xf32> to vector<2000x128xf32>
    %swap3A = arith.constant 0 : index
    %swap3A_13 = arith.constant 0 : index
    %swap3A_14 = arith.constant 0 : index
    %swap3A_15 = vector.load %arg4[%swap3A, %swap3A_13, %swap3A_14] : memref<2000x8x128xf32, #tpu.memory_space<vmem>>, vector<2000x1x128xf32>
    %swap3A_16 = vector.shape_cast %swap3A_15 : vector<2000x1x128xf32> to vector<2000x128xf32>
    %swap3A_17 = vector.shape_cast %slice3A : vector<2000x128xf32> to vector<2000x1x128xf32>
    tpu.vector_store %arg4[%swap3A, %swap3A_13, %swap3A_14], %swap3A_17 {strides = array<i32>} : memref<2000x8x128xf32, #tpu.memory_space<vmem>>, vector<2000x1x128xf32>,
    %slice3A_18 = vector.extract_strided_slice %dot_general3A_12 {offsets = [0, 128], sizes = [2000, 128], strides = [1, 1]} : vector<2000x1024xf32> to vector<2000x128xf32>
    %swap3A_19 = arith.constant 0 : index
    %swap3A_20 = arith.constant 1 : index
    %swap3A_21 = arith.constant 0 : index
    %swap3A_22 = vector.load %arg4[%swap3A_19, %swap3A_20, %swap3A_21] : memref<2000x8x128xf32, #tpu.memory_space<vmem>>, vector<2000x1x128xf32>
    %swap3A_23 = vector.shape_cast %swap3A_22 : vector<2000x1x128xf32> to vector<2000x128xf32>
    %swap3A_24 = vector.shape_cast %slice3A_18 : vector<2000x128xf32> to vector<2000x1x128xf32>
    tpu.vector_store %arg4[%swap3A_19, %swap3A_20, %swap3A_21], %swap3A_24 {strides = array<i32>} : memref<2000x8x128xf32, #tpu.memory_space<vmem>>, vector<2000x1x128xf32>,
    %slice3A_25 = vector.extract_strided_slice %dot_general3A_12 {offsets = [0, 256], sizes = [2000, 128], strides = [1, 1]} : vector<2000x1024xf32> to vector<2000x128xf32>
    %swap3A_26 = arith.constant 0 : index
    %swap3A_27 = arith.constant 2 : index
    %swap3A_28 = arith.constant 0 : index
    %swap3A_29 = vector.load %arg4[%swap3A_26, %swap3A_27, %swap3A_28] : memref<2000x8x128xf32, #tpu.memory_space<vmem>>, vector<2000x1x128xf32>
    %swap3A_30 = vector.shape_cast %swap3A_29 : vector<2000x1x128xf32> to vector<2000x128xf32>
    %swap3A_31 = vector.shape_cast %slice3A_25 : vector<2000x128xf32> to vector<2000x1x128xf32>
    tpu.vector_store %arg4[%swap3A_26, %swap3A_27, %swap3A_28], %swap3A_31 {strides = array<i32>} : memref<2000x8x128xf32, #tpu.memory_space<vmem>>, vector<2000x1x128xf32>,
    %slice3A_32 = vector.extract_strided_slice %dot_general3A_12 {offsets = [0, 384], sizes = [2000, 128], strides = [1, 1]} : vector<2000x1024xf32> to vector<2000x128xf32>
    %swap3A_33 = arith.constant 0 : index
    %swap3A_34 = arith.constant 3 : index
    %swap3A_35 = arith.constant 0 : index
    %swap3A_36 = vector.load %arg4[%swap3A_33, %swap3A_34, %swap3A_35] : memref<2000x8x128xf32, #tpu.memory_space<vmem>>, vector<2000x1x128xf32>
    %swap3A_37 = vector.shape_cast %swap3A_36 : vector<2000x1x128xf32> to vector<2000x128xf32>
    %swap3A_38 = vector.shape_cast %slice3A_32 : vector<2000x128xf32> to vector<2000x1x128xf32>
    tpu.vector_store %arg4[%swap3A_33, %swap3A_34, %swap3A_35], %swap3A_38 {strides = array<i32>} : memref<2000x8x128xf32, #tpu.memory_space<vmem>>, vector<2000x1x128xf32>,
    %slice3A_39 = vector.extract_strided_slice %dot_general3A_12 {offsets = [0, 512], sizes = [2000, 128], strides = [1, 1]} : vector<2000x1024xf32> to vector<2000x128xf32>
    %swap3A_40 = arith.constant 0 : index
    %swap3A_41 = arith.constant 4 : index
    %swap3A_42 = arith.constant 0 : index
    %swap3A_43 = vector.load %arg4[%swap3A_40, %swap3A_41, %swap3A_42] : memref<2000x8x128xf32, #tpu.memory_space<vmem>>, vector<2000x1x128xf32>
    %swap3A_44 = vector.shape_cast %swap3A_43 : vector<2000x1x128xf32> to vector<2000x128xf32>
    %swap3A_45 = vector.shape_cast %slice3A_39 : vector<2000x128xf32> to vector<2000x1x128xf32>
    tpu.vector_store %arg4[%swap3A_40, %swap3A_41, %swap3A_42], %swap3A_45 {strides = array<i32>} : memref<2000x8x128xf32, #tpu.memory_space<vmem>>, vector<2000x1x128xf32>,
    %slice3A_46 = vector.extract_strided_slice %dot_general3A_12 {offsets = [0, 640], sizes = [2000, 128], strides = [1, 1]} : vector<2000x1024xf32> to vector<2000x128xf32>
    %swap3A_47 = arith.constant 0 : index
    %swap3A_48 = arith.constant 5 : index
    %swap3A_49 = arith.constant 0 : index
    %swap3A_50 = vector.load %arg4[%swap3A_47, %swap3A_48, %swap3A_49] : memref<2000x8x128xf32, #tpu.memory_space<vmem>>, vector<2000x1x128xf32>
    %swap3A_51 = vector.shape_cast %swap3A_50 : vector<2000x1x128xf32> to vector<2000x128xf32>
    %swap3A_52 = vector.shape_cast %slice3A_46 : vector<2000x128xf32> to vector<2000x1x128xf32>
    tpu.vector_store %arg4[%swap3A_47, %swap3A_48, %swap3A_49], %swap3A_52 {strides = array<i32>} : memref<2000x8x128xf32, #tpu.memory_space<vmem>>, vector<2000x1x128xf32>,
    %slice3A_53 = vector.extract_strided_slice %dot_general3A_12 {offsets = [0, 768], sizes = [2000, 128], strides = [1, 1]} : vector<2000x1024xf32> to vector<2000x128xf32>
    %swap3A_54 = arith.constant 0 : index
    %swap3A_55 = arith.constant 6 : index
    %swap3A_56 = arith.constant 0 : index
    %swap3A_57 = vector.load %arg4[%swap3A_54, %swap3A_55, %swap3A_56] : memref<2000x8x128xf32, #tpu.memory_space<vmem>>, vector<2000x1x128xf32>
    %swap3A_58 = vector.shape_cast %swap3A_57 : vector<2000x1x128xf32> to vector<2000x128xf32>
    %swap3A_59 = vector.shape_cast %slice3A_53 : vector<2000x128xf32> to vector<2000x1x128xf32>
    tpu.vector_store %arg4[%swap3A_54, %swap3A_55, %swap3A_56], %swap3A_59 {strides = array<i32>} : memref<2000x8x128xf32, #tpu.memory_space<vmem>>, vector<2000x1x128xf32>,
    %slice3A_60 = vector.extract_strided_slice %dot_general3A_12 {offsets = [0, 896], sizes = [2000, 128], strides = [1, 1]} : vector<2000x1024xf32> to vector<2000x128xf32>
    %swap3A_61 = arith.constant 0 : index
    %swap3A_62 = arith.constant 7 : index
    %swap3A_63 = arith.constant 0 : index
    %swap3A_64 = vector.load %arg4[%swap3A_61, %swap3A_62, %swap3A_63] : memref<2000x8x128xf32, #tpu.memory_space<vmem>>, vector<2000x1x128xf32>
    %swap3A_65 = vector.shape_cast %swap3A_64 : vector<2000x1x128xf32> to vector<2000x128xf32>
    %swap3A_66 = vector.shape_cast %slice3A_60 : vector<2000x128xf32> to vector<2000x1x128xf32>
    tpu.vector_store %arg4[%swap3A_61, %swap3A_62, %swap3A_63], %swap3A_66 {strides = array<i32>} : memref<2000x8x128xf32, #tpu.memory_space<vmem>>, vector<2000x1x128xf32>,
    return
  }
  func.func @transform_0(%arg0: i32) -> (i32, i32) {
    %c0_i32 = arith.constant 0 : i32
    %c0_i32_0 = arith.constant 0 : i32
    return %arg0, %c0_i32 : i32, i32
  }
  func.func @transform_1(%arg0: i32) -> (i32, i32) {
    %c0_i32 = arith.constant 0 : i32
    %c0_i32_0 = arith.constant 0 : i32
    %c0_i32_1 = arith.constant 0 : i32
    return %c0_i32, %c0_i32_0 : i32, i32
  }
  func.func @transform_2(%arg0: i32) -> (i32, i32) {
    %c0_i32 = arith.constant 0 : i32
    %c0_i32_0 = arith.constant 0 : i32
    %c0_i32_1 = arith.constant 0 : i32
    return %c0_i32, %c0_i32_0 : i32, i32
  }
  func.func @transform_3(%arg0: i32) -> (i32, i32, i32) {
    %c0_i32 = arith.constant 0 : i32
    %c0_i32_0 = arith.constant 0 : i32
    %c0_i32_1 = arith.constant 0 : i32
    return %arg0, %c0_i32, %c0_i32_0 : i32, i32, i32
  }
}

</mosaic_0001>

<sc_bundles>
// kernel: kernel.10.cloned.1.call-start
scs
__scs_entry_jumppad:
0x0: {  	(pc) =	sbr.rel $0x88, $3  }
0x1: {  	(tag) =	ssettag $0x0;
	lr =	simm.s32 $0x1  }
0x2: {  	[smem:$0x3F9A] =	sst lr;
	_ =	strace $0xD0000000  }
0x3: {  	_ = 	snop  }
0x4: {  	_ = 	snop  }
0x5: {  	_ = 	snop  }
0x6: {  	_ = 	snop  }
0x7: {  	_ = 	snop  }
__scs_overlays_trampoline_lowered:
0x8: {  	[smem:$0x3FA9] =	sst s0  }
0x9: {  	[smem:$0x3FAA] =	sst s1  }
0xa: {  	[smem:$0x3FAB] =	sst s2  }
0xb: {  	[smem:$0x3FAC] =	sst s3  }
0xc: {  	[smem:$0x3FAD] =	sst s4  }
0xd: {  	[smem:$0x3FAE] =	sst s5  }
0xe: {  	[smem:$0x3FAF] =	sst s6  }
0xf: {  	[smem:$0x3FB0] =	sst s7  }
0x10: {  	[smem:$0x3FB1] =	sst s8  }
0x11: {  	[smem:$0x3FB2] =	sst s9;
	s0 =	simm.s32 @!p0 $0x0  }
0x12: {  	s1 =	sld [smem:$0x3F98];
	s0 =	simm.s32 @p0 $0x1  }
0x13: {  	[smem:$0x3FB3] =	sst s0;
	s0 =	simm.s32 @!p1 $0x0  }
0x14: {  	s2 =	sld [smem:$0x3F97];
	s0 =	simm.s32 @p1 $0x1  }
0x15: {  	[smem:$0x3FB4] =	sst s0;
	s0 =	simm.s32 @!p2 $0x0  }
0x16: {  	s3 =	sld [smem:$0x3FDB];
	s0 =	simm.s32 @p2 $0x1  }
0x17: {  	s4 =	simm.s32 $0x1BF5;
	[smem:$0x3FB6] =	sst s0  }
0x18: {  	s0 =	sld [smem:$0x3F99];
	_ =	swait.ge [sflag:s4], $0x0  }
0x19: {  	s7 =	sld [smem:$0x3F9A]  }
0x1a: {  	s8 =	sadd.s32 $0xFFFFE003, lr  }
0x1b: {  	s9 =	sadd.s32 $0xFFFFFEF7, lr;
	s5 =	simm.s32 $0xFFFFFFFF;
	p2 =	slt.u32 s8, $0xFFFFF086  }
0x1c: {  	p1 =	slt.u32 s9, $0xF7A;
	s5 =	simm.s32 @!p2 $0x0  }
0x1d: {  	s5 =	simm.s32 @p1 $0x1;
	p0 =	seq.s32 s7, s2  }
0x1e: {  	s7 =	smul.u32 @!p0 $0xF7A, s2;
	p2 =	seq.s32 @!p0 s5, $0x0  }
0x1f: {  	s9 =	smul.u32 $0xF7A, s1;
	s8 =	simm.s32 @!p0 $0x1BF5;
	p2 =	por !p2, p0  }
0x20: {  	[sflag:s8] =	ssyncset.s32 @!p0 $0xFFFFF086;
	s6 =	sadd.s32 @!p0 s3, s7;
	s7 =	simm.s32 @!p0 $0x108  }
0x21: {  	s3 =	sadd.s32 s3, s9;
	s6 =	sadd.s32 @!p0 $0x88, s6;
	s7 =	simm.s32 @p2 $0x1082  }
0x22: {  	[simem:s7], [sflag:s8] =	dma.local @!p0 [hbm:s6], $0xF7A  }
0x23: {  	s9 =	sor.u32 $0xD0000000, s2;
	s6 =	simm.s32 $0x108;
	_ =	swait.ge @!p0 [sflag:s8], $0x0  }
0x24: {  	s3 =	sadd.s32 $0x88, s3;
	s6 =	simm.s32 @!p1 $0x1082;
	[sflag:s4] =	ssyncset.s32 $0xFFFFF086  }
0x25: {  	[simem:s6], [sflag:s4] =	dma.local [hbm:s3], $0xF7A  }
0x26: {  	[smem:$0x3F9A] =	sst s1;
	(tag) =	ssettag s2;
	_ =	strace s9  }
0x27: {  	s1 =	sld [smem:$0x3FAA]  }
0x28: {  	s2 =	sld [smem:$0x3FAB]  }
0x29: {  	s4 =	sld [smem:$0x3FAD]  }
0x2a: {  	p0 =	seq.s32 s5, $0x0;
	s5 =	sld [smem:$0x3FAE]  }
0x2b: {  	s6 =	sld [smem:$0x3FAF]  }
0x2c: {  	s7 =	sld [smem:$0x3FB0]  }
0x2d: {  	s3 =	simm.s32 $0x108;
	s8 =	sld [smem:$0x3FB1]  }
0x2e: {  	s3 =	simm.s32 @!p0 $0x1082;
	s9 =	sld [smem:$0x3FB2]  }
0x2f: {  	lr =	sadd.s32 s0, s3;
	s0 =	sld [smem:$0x3FA9]  }
0x30: {  	s3 =	sld [smem:$0x3FAC]  }
0x31: {  	[smem:$0x3FB5] =	sst s10  }
0x32: {  	s10 =	sld [smem:$0x3FB3];
	_ =	sdelay $0x3  }
0x33: {  	p0 =	seq.s32 s10, $0x1;
	s10 =	sld [smem:$0x3FB5];
	_ =	sdelay $0x3  }
0x34: {  	[smem:$0x3FB5] =	sst s10  }
0x35: {  	s10 =	sld [smem:$0x3FB4];
	_ =	sdelay $0x3  }
0x36: {  	p1 =	seq.s32 s10, $0x1;
	s10 =	sld [smem:$0x3FB5];
	_ =	sdelay $0x3  }
0x37: {  	[smem:$0x3FB5] =	sst s10  }
0x38: {  	s10 =	sld [smem:$0x3FB6]  }
0x39: {  	_ = 	snop;
	(pc) =	sbr.ind lr, $3  }
0x3a: {  	_ = 	snop  }
0x3b: {  	_ = 	snop  }
0x3c: {  	p2 =	seq.s32 s10, $0x1;
	s10 =	sld [smem:$0x3FB5]  }
0x3d: {  	_ =	shalt  }
0x3e: {  	_ =	shalt  }
0x3f: {  	_ =	shalt  }
0x40: {  	_ =	shalt  }
0x41: {  	_ =	shalt  }
0x42: {  	_ =	shalt  }
0x43: {  	_ =	shalt  }
0x44: {  	_ =	shalt  }
0x45: {  	_ =	shalt  }
0x46: {  	_ =	shalt  }
0x47: {  	_ =	shalt  }
0x48: {  	_ =	shalt  }
0x49: {  	_ =	shalt  }
0x4a: {  	_ =	shalt  }
0x4b: {  	_ =	shalt  }
0x4c: {  	_ =	shalt  }
0x4d: {  	_ =	shalt  }
0x4e: {  	_ =	shalt  }
0x4f: {  	_ =	shalt  }
0x50: {  	_ =	shalt  }
0x51: {  	_ =	shalt  }
0x52: {  	_ =	shalt  }
0x53: {  	_ =	shalt  }
0x54: {  	_ =	shalt  }
0x55: {  	_ =	shalt  }
0x56: {  	_ =	shalt  }
0x57: {  	_ =	shalt  }
0x58: {  	_ =	shalt  }
0x59: {  	_ =	shalt  }
0x5a: {  	_ =	shalt  }
0x5b: {  	_ =	shalt  }
0x5c: {  	_ =	shalt  }
0x5d: {  	_ =	shalt  }
0x5e: {  	_ =	shalt  }
0x5f: {  	_ =	shalt  }
0x60: {  	_ =	shalt  }
0x61: {  	_ =	shalt  }
0x62: {  	_ =	shalt  }
0x63: {  	_ =	shalt  }
0x64: {  	_ =	shalt  }
0x65: {  	_ =	shalt  }
0x66: {  	_ =	shalt  }
0x67: {  	_ =	shalt  }
0x68: {  	_ =	shalt  }
0x69: {  	_ =	shalt  }
0x6a: {  	_ =	shalt  }
0x6b: {  	_ =	shalt  }
0x6c: {  	_ =	shalt  }
0x6d: {  	_ =	shalt  }
0x6e: {  	_ =	shalt  }
0x6f: {  	_ =	shalt  }
0x70: {  	_ =	shalt  }
0x71: {  	_ =	shalt  }
0x72: {  	_ =	shalt  }
0x73: {  	_ =	shalt  }
0x74: {  	_ =	shalt  }
0x75: {  	_ =	shalt  }
0x76: {  	_ =	shalt  }
0x77: {  	_ =	shalt  }
0x78: {  	_ =	shalt  }
0x79: {  	_ =	shalt  }
0x7a: {  	_ =	shalt  }
0x7b: {  	_ =	shalt  }
0x7c: {  	_ =	shalt  }
0x7d: {  	_ =	shalt  }
0x7e: {  	_ =	shalt  }
0x7f: {  	_ =	shalt  }
0x80: {  	_ =	shalt  }
0x81: {  	_ =	shalt  }
0x82: {  	_ =	shalt  }
0x83: {  	_ =	shalt  }
0x84: {  	_ =	shalt  }
0x85: {  	_ =	shalt  }
0x86: {  	_ =	shalt  }
0x87: {  	_ =	shalt  }
.Lfunc_end0:
.L_simem_size_0:
called_computation.1_lowered:
.L_overlay_start_0:
0x88: {  	s2 =	sld [smem:$0x3FD9]  }
0x89: {  	s3 =	sld [smem:$0x3FFE];
	_ =	sdelay $0x1  }
0x8a: {  	s1 =	srdreg.scid  }
0x8b: {  	s0 =	sand.u32 $0x1, s1  }
0x8c: {  	s16 =	sshll.u32 s0, $0xA;
	s2 =	sadd.s32 s3, s2  }
0x8d: {  	s2 =	sadd.s32 s2, s16  }
0x8e: {  	[smem:$0x3FC1] =	sst s2  }
0x8f: {  	_ = 	snop  }
0x90: {  	(tm) =	ssettm $0x1  }
0x91: {  	s17 =	sld [smem:$0x3FFB];
	_ =	sdelay $0x3  }
0x92: {  	_ =	strace s17  }
0x93: {  	s2 =	sld [smem:$0x3FFC];
	_ =	sdelay $0x3  }
0x94: {  	_ =	strace s2  }
0x95: {  	s2 =	sld [smem:$0x3FFD];
	_ =	sdelay $0x3  }
0x96: {  	_ =	strace s2  }
0x97: {  	_ =	strace $0x8FFFFFFF  }
0x98: {  	s18 =	sld [smem:$0x3FDB];
	_ =	sdelay $0x1  }
0x99: {  	s19 =	simm.s32 $_scs_section_size  }
0x9a: {  	s4 =	simm.s32 $_size__tile_overlayer_lowered;
	s5 =	simm.s32 $_tile_overlayer_lowered  }
0x9b: {  	s22 =	simm.s32 $0x1BFF;
	s21 =	sshll.u32 s5, $0x1;
	s2 =	sadd.s32 s19, s18  }
0x9c: {  	s6 =	simm.s32 $0x0;
	s20 =	sshll.u32 s4, $0x1;
	s4 =	sadd.s32 s21, s2  }
0x9d: {  	[timem:s6], [sflag:s22] =	dma.local [hbm:s4], s20  }
0x9e: {  	_ =	swait.ge [sflag:s22], s20  }
0x9f: {  	s3 =	ssub.s32 $0x0, s20;
	[sflag:s22] =	ssyncset.done $0x0  }
0xa0: {  	[sflag:s22] =	ssyncadd.s32 s3;
	_ =	sdelay $0x1  }
0xa1: {  	s23 =	simm.s32 $0x1B8B  }
0xa2: {  	_ =	swait.ge [sflag:s23], $0x1  }
0xa3: {  	[sflag:s23] =	ssyncset.done $0x0  }
0xa4: {  	s25 =	simm.s32 $0x1B8E;
	s24 =	sld [smem:$0x3FFE];
	[sflag:s23] =	ssyncadd.s32 $0xFFFFFFFF  }
0xa5: {  	s26 =	simm.s32 $execute0_lowered;
	[smem:$0x3FD2] =	sst s25  }
0xa6: {  	s4 =	sshll.u32 s26, $0x1;
	_ =	strace $0x80000049;
	[dreg:$0x1] =	wrdreg $0xFFFFFFFF  }
0xa7: {  	s28 =	simm.s32 $_size_execute0_lowered;
	s2 =	sadd.s32 s2, s4;
	[dreg:$0x0] =	wrdreg $0x0  }
0xa8: {  	s4 =	sshll.u32 s28, $0x1;
	[dreg:$0x2] =	wrdreg s2  }
0xa9: {  	[dreg:$0x3] =	wrdreg s4  }
0xaa: {  	[dreg:$0x4] =	wrdreg $0xC0  }
0xab: {  	_ =	task [dreg:s6], $0x5FFFF  }
0xac: {  	[dreg:$0x1] =	wrdreg $0xFFFFFFFF  }
0xad: {  	[dreg:$0x0] =	wrdreg $0x60  }
0xae: {  	[dreg:$0x2] =	wrdreg s24  }
0xaf: {  	[dreg:$0x3] =	wrdreg $0x9  }
0xb0: {  	_ =	task.clear_ibuf [dreg:s6], $0x4FFFF;
	_ =	strace $0x90000049  }
0xb1: {  	s29 =	simm.s32 $0x9;
	_ =	strace $0x8000004B  }
0xb2: {  	_ =	swait.ge [sflag:s29], $0x1  }
0xb3: {  	[sflag:s29] =	ssyncadd.s32 $0xFFFFFFFF  }
0xb4: {  	_ =	strace $0x9000004B  }
0xb5: {  	_ =	sfence  }
0xb6: {  	s30 =	sld [smem:$0x0];
	_ =	sdelay $0x2  }
0xb7: {  	s31 =	sshll.u32 s1, $0xD;
	s1 =	sshrl.u32 s1, $0x2  }
0xb8: {  	s3 =	sand.u32 $0x4000, s31;
	s1 =	sadd.s32 s1, s30  }
0xb9: {  	s0 =	sor.u32 s3, s0;
	s1 =	sshll.u32 s1, $0x11  }
0xba: {  	s0 =	sor.u32 s1, s0  }
0xbb: {  	s0 =	sadd.s32 $0x8F2B, s0  }
0xbc: {  	[sflag:s0] =	ssyncadd.remote.s32 $0x1  }
0xbd: {  	_ =	sfence.sel $0xFFFF  }
0xbe: {  	[dreg:$0x0] =	wrdreg $0xFFFFFFFF;
	(pc) =	sbr.abs _section_cstart, $3  }
0xbf: {  	[dreg:$0x1] =	wrdreg $0xFFFFFFFF  }
0xc0: {  	_ =	task.clear_ibuf [dreg:s6], $0x2FFFF;
	_ =	strace $0x9FFFFFFF  }
0xc1: {  	(tm) =	ssettm $0x7FFFFFFF  }
tec
execute0_lowered:
.L_overlay_start_1:
0x0: {  	(tag) =	ssettag $0x1  }
0x1: {  	s1 =	srdreg.scid;
	s0 =	stileid.u32  }
0x2: {  	s22 =	sand.u32 $0x1, s1;
	s31 =	sshll.u32 s0, $0x1  }
0x3: {  	s1 =	sor.u32 s22, s31  }
0x4: {  	s3 =	smul.u32 $0x2710, s1;
	_ =	sdelay $0x1  }
0x5: {  	s5 =	rddreg [dreg:$0x0];
	s2 =	simm.s32 $0x0;
	s3 =	sshrl.u32 s3, $0x3  }
0x6: {  	s4 =	simm.s32 $0x3;
	[smem:$0x7FF] =	sst s2;
	s20 =	sadd.s32 s3, s5  }
0x7: {  	s1 =	rddreg [dreg:$0x1];
	_ =	strace $0x8000004A;
	s3 =	sadd.s32 $0xB600, s20  }
0x8: {  	[tilespmem:s2], [sflag:$0x3] =	stream.linear.gather [hbm4b:s3+s2], $0x2710, $0x38;
	[tilespmem:$0x4E20] =	vst v63  }
0x9: {  	_ =	swait.ge [sflag:s4], $0x2710  }
0xa: {  	s6 =	simm.s32 $0x7D0;
	[sflag:s4] =	ssyncset.done $0x0  }
0xb: {  	s7 =	simm.s32 $0x2710;
	s5 =	sadd.s32 $0x1F200, s5;
	[sflag:s4] =	ssyncadd.s32 $0xFFFFD8F0  }
0xc: {  	[tilespmem:s7], [sflag:$0x1] =	stream.indirect.gather [hbm4b:s5+s6], $0x1, s2, s6, $0xb8;
	[tilespmem:$0x4E20] =	vst v63  }
0xd: {  	s8 =	simm.s32 $0x2EE0  }
0xe: {  	[tilespmem:s8], [sflag:$0x1] =	stream.indirect.gather [hbm4b:s5+s6], $0x1, s6, s6, $0xb8;
	[tilespmem:$0x4E20] =	vst v63  }
0xf: {  	s9 =	simm.s32 $0xFA0;
	s10 =	simm.s32 $0x36B0  }
0x10: {  	[tilespmem:s10], [sflag:$0x1] =	stream.indirect.gather [hbm4b:s5+s6], $0x1, s9, s6, $0xb8;
	[tilespmem:$0x4E20] =	vst v63  }
0x11: {  	s11 =	simm.s32 $0x1770;
	s12 =	simm.s32 $0x3E80  }
0x12: {  	[tilespmem:s12], [sflag:$0x1] =	stream.indirect.gather [hbm4b:s5+s6], $0x1, s11, s6, $0xb8;
	[tilespmem:$0x4E20] =	vst v63  }
0x13: {  	s13 =	simm.s32 $0x1F40;
	s14 =	simm.s32 $0x4650;
	s15 =	simm.s32 $0x1  }
0x14: {  	[tilespmem:s14], [sflag:$0x1] =	stream.indirect.gather [hbm4b:s5+s6], $0x1, s13, s6, $0xb8;
	[tilespmem:$0x4E20] =	vst v63  }
0x15: {  	_ =	swait.ge [sflag:s15], $0x7D0  }
0x16: {  	[sflag:s15] =	ssyncset.done $0x0  }
0x17: {  	s16 =	sadd.s32 $0x1800, s20;
	[sflag:s15] =	ssyncadd.s32 $0xFFFFF830  }
0x18: {  	[hbm4b:s16+s2] =	stream.linear.scatter [tilespmem:s7], [sflag:$0x2], $0x7D0, $0x38;
	[tilespmem:$0x4E20] =	vst v63  }
0x19: {  	_ =	swait.ge [sflag:s15], $0x7D0  }
0x1a: {  	[sflag:s15] =	ssyncset.done $0x0  }
0x1b: {  	s17 =	sadd.s32 $0x18FA, s20;
	[sflag:s15] =	ssyncadd.s32 $0xFFFFF830  }
0x1c: {  	[hbm4b:s17+s2] =	stream.linear.scatter [tilespmem:s8], [sflag:$0x2], $0x7D0, $0x38;
	[tilespmem:$0x4E20] =	vst v63  }
0x1d: {  	_ =	swait.ge [sflag:s15], $0x7D0  }
0x1e: {  	[sflag:s15] =	ssyncset.done $0x0  }
0x1f: {  	s18 =	sadd.s32 $0x19F4, s20;
	[sflag:s15] =	ssyncadd.s32 $0xFFFFF830  }
0x20: {  	[hbm4b:s18+s2] =	stream.linear.scatter [tilespmem:s10], [sflag:$0x2], $0x7D0, $0x38;
	[tilespmem:$0x4E20] =	vst v63  }
0x21: {  	_ =	swait.ge [sflag:s15], $0x7D0  }
0x22: {  	[sflag:s15] =	ssyncset.done $0x0  }
0x23: {  	s19 =	sadd.s32 $0x1AEE, s20;
	[sflag:s15] =	ssyncadd.s32 $0xFFFFF830  }
0x24: {  	[hbm4b:s19+s2] =	stream.linear.scatter [tilespmem:s12], [sflag:$0x2], $0x7D0, $0x38;
	[tilespmem:$0x4E20] =	vst v63  }
0x25: {  	_ =	swait.ge [sflag:s15], $0x7D0  }
0x26: {  	[sflag:s15] =	ssyncset.done $0x0  }
0x27: {  	s21 =	sadd.s32 $0x1BE8, s20;
	s20 =	simm.s32 $0x2;
	[sflag:s15] =	ssyncadd.s32 $0xFFFFF830  }
0x28: {  	[hbm4b:s21+s2] =	stream.linear.scatter [tilespmem:s14], [sflag:$0x2], $0x7D0, $0x38;
	[tilespmem:$0x4E20] =	vst v63  }
0x29: {  	_ =	swait.ge [sflag:s20], $0x7D0  }
0x2a: {  	[sflag:s20] =	ssyncset.done $0x0  }
0x2b: {  	[sflag:s20] =	ssyncadd.s32 $0xFFFFF830  }
0x2c: {  	_ =	swait.ge [sflag:s20], $0x7D0  }
0x2d: {  	s22 =	ssub.s32 $0x2, s22;
	[sflag:s20] =	ssyncset.done $0x0  }
0x2e: {  	s23 =	sshrl.u32 s22, $0x1;
	[sflag:s20] =	ssyncadd.s32 $0xFFFFF830  }
0x2f: {  	s22 =	ssub.s32 s22, s23;
	_ =	swait.ge [sflag:s20], $0x7D0  }
0x30: {  	s22 =	smax.u32 s22, $0x1;
	[sflag:s20] =	ssyncset.done $0x0  }
0x31: {  	p0 =	sne.s32 s22, $0x1;
	[sflag:s20] =	ssyncadd.s32 $0xFFFFF830  }
.Ltmp0:
0x32: {  	_ =	swait.ge [sflag:s20], $0x7D0;
	(pc) =	sbr.rel @!p0 .LBB2_2-.Ltmp0, $4  }
0x33: {  	[sflag:s20] =	ssyncset.done $0x0  }
0x34: {  	[sflag:s20] =	ssyncadd.s32 $0xFFFFF830  }
0x35: {  	_ =	swait.ge [sflag:s20], $0x7D0  }
0x36: {  	s22 =	sadd.s32 $0xFFFFFFFF, s22;
	[sflag:s20] =	ssyncset.done $0x0  }
.LBB2_1:
0x37: {  	p0 =	sne.s32 s22, $0x1;
	s22 =	sadd.s32 $0xFFFFFFFF, s22;
	[sflag:s20] =	ssyncadd.s32 $0xFFFFF830  }
0x38: {  	[tilespmem:s2], [sflag:$0x3] =	stream.linear.gather [hbm4b:s3+s2], $0x2710, $0x38;
	[tilespmem:$0x4E20] =	vst v63  }
0x39: {  	_ =	swait.ge [sflag:s4], $0x2710  }
0x3a: {  	[sflag:s4] =	ssyncset.done $0x0  }
0x3b: {  	[sflag:s4] =	ssyncadd.s32 $0xFFFFD8F0  }
0x3c: {  	[tilespmem:s7], [sflag:$0x1] =	stream.indirect.gather [hbm4b:s5+s6], $0x1, s2, s6, $0xb8;
	[tilespmem:$0x4E20] =	vst v63  }
0x3d: {  	_ = 	snop  }
0x3e: {  	[tilespmem:s8], [sflag:$0x1] =	stream.indirect.gather [hbm4b:s5+s6], $0x1, s6, s6, $0xb8;
	[tilespmem:$0x4E20] =	vst v63  }
0x3f: {  	_ = 	snop  }
0x40: {  	[tilespmem:s10], [sflag:$0x1] =	stream.indirect.gather [hbm4b:s5+s6], $0x1, s9, s6, $0xb8;
	[tilespmem:$0x4E20] =	vst v63  }
0x41: {  	_ = 	snop  }
0x42: {  	[tilespmem:s12], [sflag:$0x1] =	stream.indirect.gather [hbm4b:s5+s6], $0x1, s11, s6, $0xb8;
	[tilespmem:$0x4E20] =	vst v63  }
0x43: {  	_ = 	snop  }
0x44: {  	[tilespmem:s14], [sflag:$0x1] =	stream.indirect.gather [hbm4b:s5+s6], $0x1, s13, s6, $0xb8;
	[tilespmem:$0x4E20] =	vst v63  }
0x45: {  	_ =	swait.ge [sflag:s15], $0x7D0  }
0x46: {  	[sflag:s15] =	ssyncset.done $0x0  }
0x47: {  	[sflag:s15] =	ssyncadd.s32 $0xFFFFF830  }
0x48: {  	[hbm4b:s16+s2] =	stream.linear.scatter [tilespmem:s7], [sflag:$0x2], $0x7D0, $0x38;
	[tilespmem:$0x4E20] =	vst v63  }
0x49: {  	_ =	swait.ge [sflag:s15], $0x7D0  }
0x4a: {  	[sflag:s15] =	ssyncset.done $0x0  }
0x4b: {  	[sflag:s15] =	ssyncadd.s32 $0xFFFFF830  }
0x4c: {  	[hbm4b:s17+s2] =	stream.linear.scatter [tilespmem:s8], [sflag:$0x2], $0x7D0, $0x38;
	[tilespmem:$0x4E20] =	vst v63  }
0x4d: {  	_ =	swait.ge [sflag:s15], $0x7D0  }
0x4e: {  	[sflag:s15] =	ssyncset.done $0x0  }
0x4f: {  	[sflag:s15] =	ssyncadd.s32 $0xFFFFF830  }
0x50: {  	[hbm4b:s18+s2] =	stream.linear.scatter [tilespmem:s10], [sflag:$0x2], $0x7D0, $0x38;
	[tilespmem:$0x4E20] =	vst v63  }
0x51: {  	_ =	swait.ge [sflag:s15], $0x7D0  }
0x52: {  	[sflag:s15] =	ssyncset.done $0x0  }
0x53: {  	[sflag:s15] =	ssyncadd.s32 $0xFFFFF830  }
0x54: {  	[hbm4b:s19+s2] =	stream.linear.scatter [tilespmem:s12], [sflag:$0x2], $0x7D0, $0x38;
	[tilespmem:$0x4E20] =	vst v63  }
0x55: {  	_ =	swait.ge [sflag:s15], $0x7D0  }
0x56: {  	[sflag:s15] =	ssyncset.done $0x0  }
0x57: {  	[sflag:s15] =	ssyncadd.s32 $0xFFFFF830  }
0x58: {  	[hbm4b:s21+s2] =	stream.linear.scatter [tilespmem:s14], [sflag:$0x2], $0x7D0, $0x38;
	[tilespmem:$0x4E20] =	vst v63  }
0x59: {  	_ =	swait.ge [sflag:s20], $0x7D0  }
0x5a: {  	[sflag:s20] =	ssyncset.done $0x0  }
0x5b: {  	[sflag:s20] =	ssyncadd.s32 $0xFFFFF830  }
0x5c: {  	_ =	swait.ge [sflag:s20], $0x7D0  }
0x5d: {  	[sflag:s20] =	ssyncset.done $0x0  }
0x5e: {  	[sflag:s20] =	ssyncadd.s32 $0xFFFFF830  }
0x5f: {  	_ =	swait.ge [sflag:s20], $0x7D0  }
0x60: {  	[sflag:s20] =	ssyncset.done $0x0  }
0x61: {  	[sflag:s20] =	ssyncadd.s32 $0xFFFFF830  }
.Ltmp1:
0x62: {  	_ =	swait.ge [sflag:s20], $0x7D0;
	(pc) =	sbr.rel @p0 .LBB2_1-.Ltmp1, $4  }
0x63: {  	[sflag:s20] =	ssyncset.done $0x0  }
0x64: {  	[sflag:s20] =	ssyncadd.s32 $0xFFFFF830  }
0x65: {  	_ =	swait.ge [sflag:s20], $0x7D0  }
0x66: {  	[sflag:s20] =	ssyncset.done $0x0  }
.LBB2_2:
0x67: {  	[sflag:s20] =	ssyncadd.s32 $0xFFFFF830  }
0x68: {  	_ =	sfence.sel $0x180000  }
0x69: {  	[bflag:$0x0] =	sbarrier.arrive $0xFFFF  }
0x6a: {  	p0 =	sne.s32 s0, $0x0;
	_ =	strace $0x9000004A  }
0x6b: {  	s0 =	sadd.s32 @!p0 $0x100000, s1;
	[bflag:$0x2] =	sbarrier.arrive $0xFFFF  }
0x6c: {  	[sflag:s0] =	ssyncadd.tile.s32 @!p0 $0x1;
	_ =	shalt  }
.Lfunc_end2:
_tile_overlayer_lowered:
.L_overlay_start_2:
0x6d: {  	(tag) =	ssettag $0x2  }
0x6e: {  	s0 =	rddreg [dreg:$0x0];
	s2 =	stileid.u32  }
0x6f: {  	s1 =	rddreg [dreg:$0x1];
	p0 =	sne.s32 s2, $0x0  }
0x70: {  	s3 =	rddreg [dreg:$0x2];
	[bflag:$0x3] =	sbarrier.arrive $0xFFFF;
	s2 =	simm.s32 @!p0 $0x1C03  }
0x71: {  	[timem:s3], [sflag:s2] =	dma.local @!p0 [hbm:s0], s1  }
0x72: {  	s0 =	simm.s32 @!p0 $0x3  }
0x73: {  	_ =	swait.ge @!p0 [sflag:s0], s1  }
0x74: {  	s1 =	ssub.s32 @!p0 $0x0, s1;
	[sflag:s0] =	ssyncset.done @!p0 $0x0  }
0x75: {  	[sflag:s0] =	ssyncadd.s32 @!p0 s1  }
0x76: {  	[bflag:$0x3] =	sbarrier.arrive $0xFFFF  }
0x77: {  	_ =	shalt  }

// kernel: kernel.13.cloned.1.call-start
scs
__scs_entry_jumppad:
0x0: {  	(pc) =	sbr.rel $0x88, $3  }
0x1: {  	(tag) =	ssettag $0x0;
	lr =	simm.s32 $0x1  }
0x2: {  	[smem:$0x3F9A] =	sst lr;
	_ =	strace $0xD0000000  }
0x3: {  	_ = 	snop  }
0x4: {  	_ = 	snop  }
0x5: {  	_ = 	snop  }
0x6: {  	_ = 	snop  }
0x7: {  	_ = 	snop  }
__scs_overlays_trampoline_lowered:
0x8: {  	[smem:$0x3FA9] =	sst s0  }
0x9: {  	[smem:$0x3FAA] =	sst s1  }
0xa: {  	[smem:$0x3FAB] =	sst s2  }
0xb: {  	[smem:$0x3FAC] =	sst s3  }
0xc: {  	[smem:$0x3FAD] =	sst s4  }
0xd: {  	[smem:$0x3FAE] =	sst s5  }
0xe: {  	[smem:$0x3FAF] =	sst s6  }
0xf: {  	[smem:$0x3FB0] =	sst s7  }
0x10: {  	[smem:$0x3FB1] =	sst s8  }
0x11: {  	[smem:$0x3FB2] =	sst s9;
	s0 =	simm.s32 @!p0 $0x0  }
0x12: {  	s1 =	sld [smem:$0x3F98];
	s0 =	simm.s32 @p0 $0x1  }
0x13: {  	[smem:$0x3FB3] =	sst s0;
	s0 =	simm.s32 @!p1 $0x0  }
0x14: {  	s2 =	sld [smem:$0x3F97];
	s0 =	simm.s32 @p1 $0x1  }
0x15: {  	[smem:$0x3FB4] =	sst s0;
	s0 =	simm.s32 @!p2 $0x0  }
0x16: {  	s3 =	sld [smem:$0x3FDB];
	s0 =	simm.s32 @p2 $0x1  }
0x17: {  	s4 =	simm.s32 $0x1BF5;
	[smem:$0x3FB6] =	sst s0  }
0x18: {  	s0 =	sld [smem:$0x3F99];
	_ =	swait.ge [sflag:s4], $0x0  }
0x19: {  	s7 =	sld [smem:$0x3F9A]  }
0x1a: {  	s8 =	sadd.s32 $0xFFFFE003, lr  }
0x1b: {  	s9 =	sadd.s32 $0xFFFFFEF7, lr;
	s5 =	simm.s32 $0xFFFFFFFF;
	p2 =	slt.u32 s8, $0xFFFFF086  }
0x1c: {  	p1 =	slt.u32 s9, $0xF7A;
	s5 =	simm.s32 @!p2 $0x0  }
0x1d: {  	s5 =	simm.s32 @p1 $0x1;
	p0 =	seq.s32 s7, s2  }
0x1e: {  	s7 =	smul.u32 @!p0 $0xF7A, s2;
	p2 =	seq.s32 @!p0 s5, $0x0  }
0x1f: {  	s9 =	smul.u32 $0xF7A, s1;
	s8 =	simm.s32 @!p0 $0x1BF5;
	p2 =	por !p2, p0  }
0x20: {  	[sflag:s8] =	ssyncset.s32 @!p0 $0xFFFFF086;
	s6 =	sadd.s32 @!p0 s3, s7;
	s7 =	simm.s32 @!p0 $0x108  }
0x21: {  	s3 =	sadd.s32 s3, s9;
	s6 =	sadd.s32 @!p0 $0x88, s6;
	s7 =	simm.s32 @p2 $0x1082  }
0x22: {  	[simem:s7], [sflag:s8] =	dma.local @!p0 [hbm:s6], $0xF7A  }
0x23: {  	s9 =	sor.u32 $0xD0000000, s2;
	s6 =	simm.s32 $0x108;
	_ =	swait.ge @!p0 [sflag:s8], $0x0  }
0x24: {  	s3 =	sadd.s32 $0x88, s3;
	s6 =	simm.s32 @!p1 $0x1082;
	[sflag:s4] =	ssyncset.s32 $0xFFFFF086  }
0x25: {  	[simem:s6], [sflag:s4] =	dma.local [hbm:s3], $0xF7A  }
0x26: {  	[smem:$0x3F9A] =	sst s1;
	(tag) =	ssettag s2;
	_ =	strace s9  }
0x27: {  	s1 =	sld [smem:$0x3FAA]  }
0x28: {  	s2 =	sld [smem:$0x3FAB]  }
0x29: {  	s4 =	sld [smem:$0x3FAD]  }
0x2a: {  	p0 =	seq.s32 s5, $0x0;
	s5 =	sld [smem:$0x3FAE]  }
0x2b: {  	s6 =	sld [smem:$0x3FAF]  }
0x2c: {  	s7 =	sld [smem:$0x3FB0]  }
0x2d: {  	s3 =	simm.s32 $0x108;
	s8 =	sld [smem:$0x3FB1]  }
0x2e: {  	s3 =	simm.s32 @!p0 $0x1082;
	s9 =	sld [smem:$0x3FB2]  }
0x2f: {  	lr =	sadd.s32 s0, s3;
	s0 =	sld [smem:$0x3FA9]  }
0x30: {  	s3 =	sld [smem:$0x3FAC]  }
0x31: {  	[smem:$0x3FB5] =	sst s10  }
0x32: {  	s10 =	sld [smem:$0x3FB3];
	_ =	sdelay $0x3  }
0x33: {  	p0 =	seq.s32 s10, $0x1;
	s10 =	sld [smem:$0x3FB5];
	_ =	sdelay $0x3  }
0x34: {  	[smem:$0x3FB5] =	sst s10  }
0x35: {  	s10 =	sld [smem:$0x3FB4];
	_ =	sdelay $0x3  }
0x36: {  	p1 =	seq.s32 s10, $0x1;
	s10 =	sld [smem:$0x3FB5];
	_ =	sdelay $0x3  }
0x37: {  	[smem:$0x3FB5] =	sst s10  }
0x38: {  	s10 =	sld [smem:$0x3FB6]  }
0x39: {  	_ = 	snop;
	(pc) =	sbr.ind lr, $3  }
0x3a: {  	_ = 	snop  }
0x3b: {  	_ = 	snop  }
0x3c: {  	p2 =	seq.s32 s10, $0x1;
	s10 =	sld [smem:$0x3FB5]  }
0x3d: {  	_ =	shalt  }
0x3e: {  	_ =	shalt  }
0x3f: {  	_ =	shalt  }
0x40: {  	_ =	shalt  }
0x41: {  	_ =	shalt  }
0x42: {  	_ =	shalt  }
0x43: {  	_ =	shalt  }
0x44: {  	_ =	shalt  }
0x45: {  	_ =	shalt  }
0x46: {  	_ =	shalt  }
0x47: {  	_ =	shalt  }
0x48: {  	_ =	shalt  }
0x49: {  	_ =	shalt  }
0x4a: {  	_ =	shalt  }
0x4b: {  	_ =	shalt  }
0x4c: {  	_ =	shalt  }
0x4d: {  	_ =	shalt  }
0x4e: {  	_ =	shalt  }
0x4f: {  	_ =	shalt  }
0x50: {  	_ =	shalt  }
0x51: {  	_ =	shalt  }
0x52: {  	_ =	shalt  }
0x53: {  	_ =	shalt  }
0x54: {  	_ =	shalt  }
0x55: {  	_ =	shalt  }
0x56: {  	_ =	shalt  }
0x57: {  	_ =	shalt  }
0x58: {  	_ =	shalt  }
0x59: {  	_ =	shalt  }
0x5a: {  	_ =	shalt  }
0x5b: {  	_ =	shalt  }
0x5c: {  	_ =	shalt  }
0x5d: {  	_ =	shalt  }
0x5e: {  	_ =	shalt  }
0x5f: {  	_ =	shalt  }
0x60: {  	_ =	shalt  }
0x61: {  	_ =	shalt  }
0x62: {  	_ =	shalt  }
0x63: {  	_ =	shalt  }
0x64: {  	_ =	shalt  }
0x65: {  	_ =	shalt  }
0x66: {  	_ =	shalt  }
0x67: {  	_ =	shalt  }
0x68: {  	_ =	shalt  }
0x69: {  	_ =	shalt  }
0x6a: {  	_ =	shalt  }
0x6b: {  	_ =	shalt  }
0x6c: {  	_ =	shalt  }
0x6d: {  	_ =	shalt  }
0x6e: {  	_ =	shalt  }
0x6f: {  	_ =	shalt  }
0x70: {  	_ =	shalt  }
0x71: {  	_ =	shalt  }
0x72: {  	_ =	shalt  }
0x73: {  	_ =	shalt  }
0x74: {  	_ =	shalt  }
0x75: {  	_ =	shalt  }
0x76: {  	_ =	shalt  }
0x77: {  	_ =	shalt  }
0x78: {  	_ =	shalt  }
0x79: {  	_ =	shalt  }
0x7a: {  	_ =	shalt  }
0x7b: {  	_ =	shalt  }
0x7c: {  	_ =	shalt  }
0x7d: {  	_ =	shalt  }
0x7e: {  	_ =	shalt  }
0x7f: {  	_ =	shalt  }
0x80: {  	_ =	shalt  }
0x81: {  	_ =	shalt  }
0x82: {  	_ =	shalt  }
0x83: {  	_ =	shalt  }
0x84: {  	_ =	shalt  }
0x85: {  	_ =	shalt  }
0x86: {  	_ =	shalt  }
0x87: {  	_ =	shalt  }
.Lfunc_end0:
.L_simem_size_0:
called_computation.2_lowered:
.L_overlay_start_0:
0x88: {  	s2 =	sld [smem:$0x3FD9]  }
0x89: {  	s3 =	sld [smem:$0x3FFE];
	_ =	sdelay $0x1  }
0x8a: {  	s1 =	srdreg.scid  }
0x8b: {  	s0 =	sand.u32 $0x1, s1  }
0x8c: {  	s17 =	sshll.u32 s0, $0xA;
	s2 =	sadd.s32 s3, s2  }
0x8d: {  	s2 =	sadd.s32 s2, s17  }
0x8e: {  	[smem:$0x3FC1] =	sst s2  }
0x8f: {  	_ = 	snop  }
0x90: {  	s2 =	sld [smem:$0x3FD0];
	(tm) =	ssettm $0x1  }
0x91: {  	s18 =	sld [smem:$0x3FFB];
	_ =	sdelay $0x3  }
0x92: {  	_ =	strace s18  }
0x93: {  	s3 =	sld [smem:$0x3FFC];
	_ =	sdelay $0x3  }
0x94: {  	_ =	strace s3  }
0x95: {  	s3 =	sld [smem:$0x3FFD];
	_ =	sdelay $0x3  }
0x96: {  	_ =	strace s3  }
0x97: {  	_ =	strace $0x8FFFFFFF  }
0x98: {  	s19 =	sld [smem:$0x3FDB];
	_ =	sdelay $0x1  }
0x99: {  	s4 =	simm.s32 $_scs_section_size  }
0x9a: {  	s5 =	simm.s32 $_size__tile_overlayer_lowered;
	s6 =	simm.s32 $_tile_overlayer_lowered  }
0x9b: {  	s22 =	simm.s32 $0x1BFF;
	s21 =	sshll.u32 s6, $0x1;
	s3 =	sadd.s32 s4, s19  }
0x9c: {  	s7 =	simm.s32 $0x0;
	s20 =	sshll.u32 s5, $0x1;
	s5 =	sadd.s32 s21, s3  }
0x9d: {  	[timem:s7], [sflag:s22] =	dma.local [hbm:s5], s20  }
0x9e: {  	_ =	swait.ge [sflag:s22], s20  }
0x9f: {  	s4 =	ssub.s32 $0x0, s20;
	[sflag:s22] =	ssyncset.done $0x0  }
0xa0: {  	[sflag:s22] =	ssyncadd.s32 s4;
	_ =	sdelay $0x1  }
0xa1: {  	s23 =	simm.s32 $0x1B8B  }
0xa2: {  	_ =	swait.ge [sflag:s23], $0x1  }
0xa3: {  	[sflag:s23] =	ssyncset.done $0x0  }
0xa4: {  	s25 =	simm.s32 $0x1B8E;
	s24 =	sld [smem:$0x3FFE];
	[sflag:s23] =	ssyncadd.s32 $0xFFFFFFFF  }
0xa5: {  	s26 =	simm.s32 $execute0_lowered;
	[smem:$0x3FD2] =	sst s25  }
0xa6: {  	s5 =	sshll.u32 s26, $0x1;
	_ =	strace $0x8000004C;
	[dreg:$0x1] =	wrdreg $0xFFFFFFFF  }
0xa7: {  	s28 =	simm.s32 $_size_execute0_lowered;
	s3 =	sadd.s32 s3, s5;
	[dreg:$0x0] =	wrdreg $0x0  }
0xa8: {  	s5 =	sshll.u32 s28, $0x1;
	[dreg:$0x2] =	wrdreg s3  }
0xa9: {  	[dreg:$0x3] =	wrdreg s5  }
0xaa: {  	[dreg:$0x4] =	wrdreg $0xC0  }
0xab: {  	_ =	task [dreg:s7], $0x5FFFF  }
0xac: {  	[dreg:$0x1] =	wrdreg $0xFFFFFFFF  }
0xad: {  	[dreg:$0x0] =	wrdreg $0x60  }
0xae: {  	[dreg:$0x2] =	wrdreg s24  }
0xaf: {  	[dreg:$0x3] =	wrdreg s2  }
0xb0: {  	[dreg:$0x4] =	wrdreg $0x9  }
0xb1: {  	_ =	task.clear_ibuf [dreg:s7], $0x5FFFF;
	_ =	strace $0x9000004C  }
0xb2: {  	s29 =	simm.s32 $0x9;
	_ =	strace $0x8000004E  }
0xb3: {  	_ =	swait.ge [sflag:s29], $0x1  }
0xb4: {  	[sflag:s29] =	ssyncadd.s32 $0xFFFFFFFF  }
0xb5: {  	_ =	strace $0x9000004E  }
0xb6: {  	_ =	sfence  }
0xb7: {  	s30 =	sld [smem:$0x0];
	_ =	sdelay $0x2  }
0xb8: {  	s31 =	sshll.u32 s1, $0xD;
	s1 =	sshrl.u32 s1, $0x2  }
0xb9: {  	s3 =	sand.u32 $0x4000, s31;
	s1 =	sadd.s32 s1, s30  }
0xba: {  	s0 =	sor.u32 s3, s0;
	s1 =	sshll.u32 s1, $0x11  }
0xbb: {  	s0 =	sor.u32 s1, s0  }
0xbc: {  	s0 =	sadd.s32 $0x8F2B, s0  }
0xbd: {  	[sflag:s0] =	ssyncadd.remote.s32 $0x1  }
0xbe: {  	_ =	sfence.sel $0xFFFF  }
0xbf: {  	[dreg:$0x0] =	wrdreg $0xFFFFFFFF;
	(pc) =	sbr.abs _section_cstart, $3  }
0xc0: {  	[dreg:$0x1] =	wrdreg $0xFFFFFFFF  }
0xc1: {  	_ =	task.clear_ibuf [dreg:s7], $0x2FFFF;
	_ =	strace $0x9FFFFFFF  }
0xc2: {  	(tm) =	ssettm $0x7FFFFFFF  }
0xc3: {  	_ =	shalt  }
tec
execute0_lowered:
.L_overlay_start_1:
0x0: {  	(tag) =	ssettag $0x1  }
0x1: {  	s0 =	srdreg.scid;
	s1 =	rddreg [dreg:$0x0]  }
0x2: {  	s2 =	stileid.u32;
	s6 =	rddreg [dreg:$0x1];
	s12 =	simm.s32 $0x3  }
0x3: {  	s13 =	simm.s32 $0x7D0;
	s17 =	simm.s32 $0x36B0;
	s18 =	simm.s32 $0x1770  }
0x4: {  	s19 =	simm.s32 $0x3E80;
	s20 =	simm.s32 $0x1F40;
	s21 =	simm.s32 $0x4650  }
0x5: {  	s22 =	simm.s32 $0x4E20;
	s23 =	simm.s32 $0x1;
	s24 =	simm.s32 $0x7530  }
0x6: {  	s25 =	simm.s32 $0x7D00;
	s26 =	simm.s32 $0x84D0;
	s28 =	simm.s32 $0x8CA0  }
0x7: {  	s29 =	simm.s32 $0x9470;
	s0 =	sand.u32 $0x1, s0;
	s2 =	sshll.u32 s2, $0x1  }
0x8: {  	s30 =	simm.s32 $0x2;
	s3 =	sor.u32 s0, s2;
	s2 =	simm.s32 $0x0  }
0x9: {  	s0 =	ssub.s32 $0x2, s0;
	s3 =	smul.u32 $0x2710, s3;
	[smem:$0x7FF] =	sst s2  }
0xa: {  	s31 =	simm.s32 $0x0;
	s4 =	sshrl.u32 s0, $0x1;
	_ =	strace $0x8000004D  }
0xb: {  	s0 =	ssub.s32 s0, s4;
	s7 =	sshrl.u32 s3, $0x3;
	s3 =	sadd.s32 $0x157A00, s1  }
0xc: {  	s11 =	smax.u32 s0, $0x1;
	s1 =	sadd.s32 s7, s1;
	s6 =	sadd.s32 s6, s7  }
0xd: {  	s4 =	sadd.s32 $0x15400, s1;
	s5 =	sadd.s32 $0x1800, s1;
	s7 =	sadd.s32 $0xFA, s6  }
0xe: {  	s8 =	sadd.s32 $0x1F4, s6;
	s9 =	sadd.s32 $0x2EE, s6;
	s10 =	sadd.s32 $0x3E8, s6  }
.LBB2_1:
0xf: {  	[tilespmem:s2], [sflag:$0x3] =	stream.linear.gather [hbm4b:s4+s2], $0x2710, $0x38;
	[tilespmem:$0x9C40] =	vst v63  }
0x10: {  	_ =	swait.ge [sflag:s12], $0x2710  }
0x11: {  	[sflag:s12] =	ssyncset.done $0x0  }
0x12: {  	s0 =	simm.s32 $0x2710;
	[sflag:s12] =	ssyncadd.s32 $0xFFFFD8F0  }
0x13: {  	[tilespmem:s0], [sflag:$0x1] =	stream.indirect.gather [hbm4b:s3+s13], $0x1, s2, s13, $0xb8;
	[tilespmem:$0x9C40] =	vst v63  }
0x14: {  	s14 =	simm.s32 $0x2EE0  }
0x15: {  	[tilespmem:s14], [sflag:$0x1] =	stream.indirect.gather [hbm4b:s3+s13], $0x1, s13, s13, $0xb8;
	[tilespmem:$0x9C40] =	vst v63  }
0x16: {  	s15 =	simm.s32 $0xFA0  }
0x17: {  	[tilespmem:s17], [sflag:$0x1] =	stream.indirect.gather [hbm4b:s3+s13], $0x1, s15, s13, $0xb8;
	[tilespmem:$0x9C40] =	vst v63  }
0x18: {  	_ = 	snop  }
0x19: {  	[tilespmem:s19], [sflag:$0x1] =	stream.indirect.gather [hbm4b:s3+s13], $0x1, s18, s13, $0xb8;
	[tilespmem:$0x9C40] =	vst v63  }
0x1a: {  	_ = 	snop  }
0x1b: {  	[tilespmem:s21], [sflag:$0x1] =	stream.indirect.gather [hbm4b:s3+s13], $0x1, s20, s13, $0xb8;
	[tilespmem:$0x9C40] =	vst v63  }
0x1c: {  	_ = 	snop  }
0x1d: {  	[tilespmem:s22], [sflag:$0x3] =	stream.linear.gather [hbm4b:s5+s2], $0x2710, $0x38;
	[tilespmem:$0x9C40] =	vst v63  }
0x1e: {  	_ =	swait.ge [sflag:s12], $0x2710  }
0x1f: {  	[sflag:s12] =	ssyncset.done $0x0  }
0x20: {  	[sflag:s12] =	ssyncadd.s32 $0xFFFFD8F0  }
0x21: {  	_ =	swait.ge [sflag:s23], $0x7D0  }
0x22: {  	[sflag:s23] =	ssyncset.done $0x0  }
0x23: {  	s16 =	simm.s32 $0x2720;
	[sflag:s23] =	ssyncadd.s32 $0xFFFFF830  }
0x24: {  	s1 =	simm.s32 $0x4E30;
	v0 =	vld [tilespmem:s16+$0x0]  }
0x25: {  	v1 =	vld [tilespmem:s1+$0x0];
	_ =	sdelay $0x1  }
0x26: {  	v2 =	vld [tilespmem:s1+$0xFFFFFFF0]  }
0x27: {  	v3 =	vld [tilespmem:s16+$0xFFFFFFF0]  }
0x28: {  	s15 =	simm.s32 $0x4E50  }
0x29: {  	s14 =	simm.s32 $0x2740;
	v4 =	vld [tilespmem:s15+$0x0];
	v0 =	vadd.f32 v0, v1  }
0x2a: {  	v1 =	vld [tilespmem:s14+$0x0]  }
0x2b: {  	v5 =	vld [tilespmem:s15+$0xFFFFFFF0];
	v0 =	vsub.f32 $0.0e+00, v0  }
0x2c: {  	v2 =	vadd.f32 v3, v2;
	v3 =	vld [tilespmem:s14+$0xFFFFFFF0]  }
0x2d: {  	s16 =	simm.s32 $0x2760;
	v0 =	vmul.f32 $1.442695020e+00, v0  }
0x2e: {  	v6 =	vld [tilespmem:s16+$0x0];
	s14 =	simm.s32 $0x4E70  }
0x2f: {  	v2 =	vsub.f32 $0.0e+00, v2;
	v1 =	vadd.f32 v1, v4;
	(erf) = vpow2.f32 v0;
	v0 =	vld [tilespmem:s14+$0x0]  }
0x30: {  	s15 =	simm.s32 $0x2780  }
0x31: {  	v7 =	vld [tilespmem:s15+$0xFFFFFFF0];
	v2 =	vmul.f32 $1.442695020e+00, v2;
	v3 =	vadd.f32 v3, v5;
	v1 =	vsub.f32 $0.0e+00, v1  }
0x32: {  	v4 =	vld [tilespmem:s14+$0xFFFFFFF0]  }
0x33: {  	(erf) = vpow2.f32 v2;
	v2 =	vld [tilespmem:s16+$0xFFFFFFF0];
	v3 =	vsub.f32 $0.0e+00, v3;
	v1 =	vmul.f32 $1.442695020e+00, v1  }
0x34: {  	v5 =	vld [tilespmem:s15+$0x0];
	s16 =	simm.s32 $0x4E90;
	v0 =	vadd.f32 v6, v0  }
0x35: {  	v3 =	vmul.f32 $1.442695020e+00, v3;
	(erf) = vpow2.f32 v1;
	v1 =	vld [tilespmem:s16+$0x0]  }
0x36: {  	v6 =	vld [tilespmem:s16+$0xFFFFFFF0];
	v0 =	vsub.f32 $0.0e+00, v0;
	_ =	sdelay $0x1  }
0x37: {  	(erf) = vpow2.f32 v3;
	v2 =	vadd.f32 v2, v4;
	v0 =	vmul.f32 $1.442695020e+00, v0  }
0x38: {  	v3 =	vpop (erf)  }
0x39: {  	s15 =	simm.s32 $0x27A0;
	v3 =	vadd.f32 $1.000000000e+00, v3;
	(erf) = vpow2.f32 v0;
	v0 =	vsub.f32 $0.0e+00, v2  }
0x3a: {  	s14 =	simm.s32 $0x4EB0;
	v8 =	vld [tilespmem:s15+$0x0];
	v1 =	vadd.f32 v5, v1;
	v6 =	vadd.f32 v7, v6  }
0x3b: {  	v4 =	vld [tilespmem:s14+$0xFFFFFFF0];
	v0 =	vmul.f32 $1.442695020e+00, v0  }
0x3c: {  	v5 =	vpop (erf);
	v2 =	vld [tilespmem:s14+$0x0];
	(erf) = vrcp.f32 v3;
	v1 =	vsub.f32 $0.0e+00, v1  }
0x3d: {  	v5 =	vadd.f32 $1.000000000e+00, v5;
	v3 =	vld [tilespmem:s15+$0xFFFFFFF0];
	(erf) = vpow2.f32 v0;
	v0 =	vsub.f32 $0.0e+00, v6  }
0x3e: {  	v1 =	vmul.f32 $1.442695020e+00, v1;
	v6 =	vpop (erf)  }
0x3f: {  	(erf) = vrcp.f32 v5;
	v5 =	vadd.f32 $1.000000000e+00, v6;
	v0 =	vmul.f32 $1.442695020e+00, v0  }
0x40: {  	s16 =	simm.s32 $0x4ED0;
	v7 =	vpop (erf);
	(erf) = vpow2.f32 v1  }
0x41: {  	s14 =	simm.s32 $0x27C0;
	v6 =	vadd.f32 v8, v2;
	v2 =	vld [tilespmem:s16+$0xFFFFFFF0];
	v7 =	vadd.f32 $1.000000000e+00, v7;
	(erf) = vrcp.f32 v5  }
0x42: {  	v3 =	vadd.f32 v3, v4;
	v1 =	vld [tilespmem:s14+$0x0];
	(erf) = vpow2.f32 v0  }
0x43: {  	v4 =	vld [tilespmem:s16+$0x0];
	v5 =	vsub.f32 $0.0e+00, v6;
	v0 =	vpop (erf);
	(erf) = vrcp.f32 v7  }
0x44: {  	s0 =	simm.s32 $0x7540;
	v6 =	vsub.f32 $0.0e+00, v3;
	v3 =	vld [tilespmem:s14+$0xFFFFFFF0]  }
0x45: {  	s1 =	simm.s32 $0x7540;
	s15 =	simm.s32 $0xA;
	s16 =	simm.s32 $0x4EF0;
	v7 =	vmul.f32 $1.442695020e+00, v5;
	v5 =	vadd.f32 $1.000000000e+00, v0;
	v0 =	vpop (erf)  }
.LBB2_2:
0x46: {  	s15 =	sadd.s32 $0x2, s15  }
0x47: {  	v8 =	vld [tilespmem:s16+$0xFFFFFFF0];
	s14 =	sadd.s32 $0x20, s14;
	v6 =	vmul.f32 $1.442695020e+00, v6;
	v9 =	vpop (erf);
	s1 =	sadd.s32 $0x20, s1;
	p0 =	slt.u32 s15, $0x7A  }
.Ltmp0:
0x48: {  	v10 =	vadd.f32 v1, v4;
	v1 =	vld [tilespmem:s14+$0x0];
	(erf) = vpow2.f32 v7;
	v7 =	vadd.f32 $1.000000000e+00, v9;
	[tilespmem:s0+$0x0] =	vst v0;
	v0 =	vpop (erf);
	(pc) =	sbr.rel @p0 .LBB2_2-.Ltmp0, $4  }
0x49: {  	v4 =	vld [tilespmem:s16+$0x0];
	v9 =	vadd.f32 v3, v2;
	(erf) = vrcp.f32 v5;
	[tilespmem:s0+$0xFFFFFFF0] =	vst v0;
	s0 =	smov.u32 s1  }
0x4a: {  	v3 =	vld [tilespmem:s14+$0xFFFFFFF0];
	v10 =	vsub.f32 $0.0e+00, v10;
	(erf) = vpow2.f32 v6  }
0x4b: {  	v6 =	vsub.f32 $0.0e+00, v9;
	v2 =	vpop (erf);
	(erf) = vrcp.f32 v7  }
0x4c: {  	s16 =	sadd.s32 $0x20, s16;
	v7 =	vmul.f32 $1.442695020e+00, v10;
	v5 =	vadd.f32 $1.000000000e+00, v2;
	v0 =	vpop (erf);
	v2 =	vmov v8  }
0x4d: {  	_ = 	snop  }
0x4e: {  	v1 =	vadd.f32 v1, v4;
	v4 =	vmul.f32 $1.442695020e+00, v6  }
0x4f: {  	v2 =	vadd.f32 v3, v2  }
0x50: {  	v6 =	vpop (erf);
	(erf) = vpow2.f32 v7;
	v1 =	vsub.f32 $0.0e+00, v1  }
0x51: {  	v3 =	vadd.f32 $1.000000000e+00, v6;
	v6 =	vpop (erf);
	(erf) = vrcp.f32 v5;
	v2 =	vsub.f32 $0.0e+00, v2  }
0x52: {  	(erf) = vpow2.f32 v4;
	v4 =	vpop (erf);
	v1 =	vmul.f32 $1.442695020e+00, v1  }
0x53: {  	(erf) = vrcp.f32 v3;
	v3 =	vadd.f32 $1.000000000e+00, v4;
	v2 =	vmul.f32 $1.442695020e+00, v2  }
0x54: {  	(erf) = vpow2.f32 v1  }
0x55: {  	(erf) = vrcp.f32 v3  }
0x56: {  	v1 =	vpop (erf);
	(erf) = vpow2.f32 v2  }
0x57: {  	v2 =	vpop (erf)  }
0x58: {  	v3 =	vpop (erf)  }
0x59: {  	v4 =	vpop (erf)  }
0x5a: {  	v5 =	vpop (erf)  }
0x5b: {  	v7 =	vpop (erf)  }
0x5c: {  	v2 =	vadd.f32 $1.000000000e+00, v2;
	v8 =	vpop (erf)  }
0x5d: {  	v4 =	vadd.f32 $1.000000000e+00, v4;
	v9 =	vpop (erf)  }
0x5e: {  	(erf) = vrcp.f32 v2;
	v2 =	vadd.f32 $1.000000000e+00, v7;
	v7 =	vpop (erf)  }
0x5f: {  	(erf) = vrcp.f32 v4;
	v4 =	vadd.f32 $1.000000000e+00, v9;
	v63 =	vpop (erf)  }
0x60: {  	(erf) = vrcp.f32 v2;
	v2 =	vadd.f32 $1.000000000e+00, v63  }
0x61: {  	[tilespmem:s0+$0x0] =	vst v0;
	(erf) = vrcp.f32 v4  }
0x62: {  	s1 =	sadd.s32 $0x20, s1;
	[tilespmem:s0+$0xFFFFFFF0] =	vst v6;
	(erf) = vrcp.f32 v2  }
0x63: {  	[tilespmem:s1+$0x0] =	vst v1  }
0x64: {  	s14 =	sadd.s32 $0x20, s1;
	[tilespmem:s1+$0xFFFFFFF0] =	vst v3  }
0x65: {  	[tilespmem:s14+$0x0] =	vst v5  }
0x66: {  	s15 =	sadd.s32 $0x20, s14;
	[tilespmem:s14+$0xFFFFFFF0] =	vst v8  }
0x67: {  	[tilespmem:s15+$0x0] =	vst v7;
	v0 =	vpop (erf)  }
0x68: {  	s16 =	sadd.s32 $0x20, s15;
	[tilespmem:s15+$0xFFFFFFF0] =	vst v0;
	v0 =	vpop (erf)  }
0x69: {  	[tilespmem:s16+$0x0] =	vst v0;
	v0 =	vpop (erf)  }
0x6a: {  	s14 =	sadd.s32 $0x20, s16;
	[tilespmem:s16+$0xFFFFFFF0] =	vst v0;
	v0 =	vpop (erf)  }
0x6b: {  	[tilespmem:s14+$0x0] =	vst v0;
	v0 =	vpop (erf)  }
0x6c: {  	[tilespmem:s14+$0xFFFFFFF0] =	vst v0  }
0x6d: {  	v0 =	vld [tilespmem:$0x55E0]  }
0x6e: {  	v1 =	vld [tilespmem:$0x2ED0];
	_ =	sdelay $0x4  }
0x6f: {  	v0 =	vadd.f32 v1, v0;
	_ =	sdelay $0x1  }
0x70: {  	v0 =	vsub.f32 $0.0e+00, v0;
	_ =	sdelay $0x1  }
0x71: {  	v0 =	vmul.f32 $1.442695020e+00, v0;
	_ =	sdelay $0x1  }
0x72: {  	(erf) = vpow2.f32 v0;
	_ =	sdelay $0x8  }
0x73: {  	v0 =	vpop (erf)  }
0x74: {  	v0 =	vadd.f32 $1.000000000e+00, v0;
	_ =	sdelay $0x1  }
0x75: {  	(erf) = vrcp.f32 v0;
	_ =	sdelay $0x8  }
0x76: {  	v0 =	vpop (erf)  }
0x77: {  	[tilespmem:$0x7CF0] =	vst v0  }
0x78: {  	[hbm4b:s6+s2] =	stream.linear.scatter [tilespmem:s24], [sflag:$0x2], $0x7D0, $0x38;
	[tilespmem:$0x9C40] =	vst v63  }
0x79: {  	_ =	swait.ge [sflag:s23], $0x7D0  }
0x7a: {  	[sflag:s23] =	ssyncset.done $0x0  }
0x7b: {  	s15 =	simm.s32 $0x2EF0;
	[sflag:s23] =	ssyncadd.s32 $0xFFFFF830  }
0x7c: {  	s16 =	simm.s32 $0x5600;
	v0 =	vld [tilespmem:s15+$0x0]  }
0x7d: {  	v1 =	vld [tilespmem:s16+$0x0];
	_ =	sdelay $0x1  }
0x7e: {  	v2 =	vld [tilespmem:s16+$0xFFFFFFF0]  }
0x7f: {  	v3 =	vld [tilespmem:s15+$0xFFFFFFF0]  }
0x80: {  	s15 =	simm.s32 $0x5620  }
0x81: {  	s14 =	simm.s32 $0x2F10;
	v4 =	vld [tilespmem:s15+$0x0];
	v0 =	vadd.f32 v0, v1  }
0x82: {  	v1 =	vld [tilespmem:s14+$0x0]  }
0x83: {  	v5 =	vld [tilespmem:s15+$0xFFFFFFF0];
	v0 =	vsub.f32 $0.0e+00, v0  }
0x84: {  	v2 =	vadd.f32 v3, v2;
	v3 =	vld [tilespmem:s14+$0xFFFFFFF0]  }
0x85: {  	s16 =	simm.s32 $0x2F30;
	v0 =	vmul.f32 $1.442695020e+00, v0  }
0x86: {  	v6 =	vld [tilespmem:s16+$0x0];
	s14 =	simm.s32 $0x5640  }
0x87: {  	v2 =	vsub.f32 $0.0e+00, v2;
	v1 =	vadd.f32 v1, v4;
	(erf) = vpow2.f32 v0;
	v0 =	vld [tilespmem:s14+$0x0]  }
0x88: {  	s15 =	simm.s32 $0x2F50  }
0x89: {  	v7 =	vld [tilespmem:s15+$0xFFFFFFF0];
	v2 =	vmul.f32 $1.442695020e+00, v2;
	v3 =	vadd.f32 v3, v5;
	v1 =	vsub.f32 $0.0e+00, v1  }
0x8a: {  	v4 =	vld [tilespmem:s14+$0xFFFFFFF0]  }
0x8b: {  	(erf) = vpow2.f32 v2;
	v2 =	vld [tilespmem:s16+$0xFFFFFFF0];
	v3 =	vsub.f32 $0.0e+00, v3;
	v1 =	vmul.f32 $1.442695020e+00, v1  }
0x8c: {  	v5 =	vld [tilespmem:s15+$0x0];
	s16 =	simm.s32 $0x5660;
	v0 =	vadd.f32 v6, v0  }
0x8d: {  	v3 =	vmul.f32 $1.442695020e+00, v3;
	(erf) = vpow2.f32 v1;
	v1 =	vld [tilespmem:s16+$0x0]  }
0x8e: {  	v6 =	vld [tilespmem:s16+$0xFFFFFFF0];
	v0 =	vsub.f32 $0.0e+00, v0;
	_ =	sdelay $0x1  }
0x8f: {  	(erf) = vpow2.f32 v3;
	v2 =	vadd.f32 v2, v4;
	v0 =	vmul.f32 $1.442695020e+00, v0  }
0x90: {  	v3 =	vpop (erf)  }
0x91: {  	s15 =	simm.s32 $0x2F70;
	v3 =	vadd.f32 $1.000000000e+00, v3;
	(erf) = vpow2.f32 v0;
	v0 =	vsub.f32 $0.0e+00, v2  }
0x92: {  	s14 =	simm.s32 $0x5680;
	v8 =	vld [tilespmem:s15+$0x0];
	v1 =	vadd.f32 v5, v1;
	v6 =	vadd.f32 v7, v6  }
0x93: {  	v4 =	vld [tilespmem:s14+$0xFFFFFFF0];
	v0 =	vmul.f32 $1.442695020e+00, v0  }
0x94: {  	v5 =	vpop (erf);
	v2 =	vld [tilespmem:s14+$0x0];
	(erf) = vrcp.f32 v3;
	v1 =	vsub.f32 $0.0e+00, v1  }
0x95: {  	v5 =	vadd.f32 $1.000000000e+00, v5;
	v3 =	vld [tilespmem:s15+$0xFFFFFFF0];
	(erf) = vpow2.f32 v0;
	v0 =	vsub.f32 $0.0e+00, v6  }
0x96: {  	v1 =	vmul.f32 $1.442695020e+00, v1;
	v6 =	vpop (erf)  }
0x97: {  	(erf) = vrcp.f32 v5;
	v5 =	vadd.f32 $1.000000000e+00, v6;
	v0 =	vmul.f32 $1.442695020e+00, v0  }
0x98: {  	s16 =	simm.s32 $0x56A0;
	v7 =	vpop (erf);
	(erf) = vpow2.f32 v1  }
0x99: {  	s14 =	simm.s32 $0x2F90;
	v6 =	vadd.f32 v8, v2;
	v2 =	vld [tilespmem:s16+$0xFFFFFFF0];
	v7 =	vadd.f32 $1.000000000e+00, v7;
	(erf) = vrcp.f32 v5  }
0x9a: {  	v3 =	vadd.f32 v3, v4;
	v1 =	vld [tilespmem:s14+$0x0];
	(erf) = vpow2.f32 v0  }
0x9b: {  	v4 =	vld [tilespmem:s16+$0x0];
	v5 =	vsub.f32 $0.0e+00, v6;
	v0 =	vpop (erf);
	(erf) = vrcp.f32 v7  }
0x9c: {  	s0 =	simm.s32 $0x7D10;
	v6 =	vsub.f32 $0.0e+00, v3;
	v3 =	vld [tilespmem:s14+$0xFFFFFFF0]  }
0x9d: {  	s1 =	simm.s32 $0x7D10;
	s15 =	simm.s32 $0xA;
	s16 =	simm.s32 $0x56C0;
	v7 =	vmul.f32 $1.442695020e+00, v5;
	v5 =	vadd.f32 $1.000000000e+00, v0;
	v0 =	vpop (erf)  }
.LBB2_4:
0x9e: {  	s15 =	sadd.s32 $0x2, s15  }
0x9f: {  	v8 =	vld [tilespmem:s16+$0xFFFFFFF0];
	s14 =	sadd.s32 $0x20, s14;
	v6 =	vmul.f32 $1.442695020e+00, v6;
	v9 =	vpop (erf);
	s1 =	sadd.s32 $0x20, s1;
	p0 =	slt.u32 s15, $0x7A  }
.Ltmp1:
0xa0: {  	v10 =	vadd.f32 v1, v4;
	v1 =	vld [tilespmem:s14+$0x0];
	(erf) = vpow2.f32 v7;
	v7 =	vadd.f32 $1.000000000e+00, v9;
	[tilespmem:s0+$0x0] =	vst v0;
	v0 =	vpop (erf);
	(pc) =	sbr.rel @p0 .LBB2_4-.Ltmp1, $4  }
0xa1: {  	v4 =	vld [tilespmem:s16+$0x0];
	v9 =	vadd.f32 v3, v2;
	(erf) = vrcp.f32 v5;
	[tilespmem:s0+$0xFFFFFFF0] =	vst v0;
	s0 =	smov.u32 s1  }
0xa2: {  	v3 =	vld [tilespmem:s14+$0xFFFFFFF0];
	v10 =	vsub.f32 $0.0e+00, v10;
	(erf) = vpow2.f32 v6  }
0xa3: {  	v6 =	vsub.f32 $0.0e+00, v9;
	v2 =	vpop (erf);
	(erf) = vrcp.f32 v7  }
0xa4: {  	s16 =	sadd.s32 $0x20, s16;
	v7 =	vmul.f32 $1.442695020e+00, v10;
	v5 =	vadd.f32 $1.000000000e+00, v2;
	v0 =	vpop (erf);
	v2 =	vmov v8  }
0xa5: {  	_ = 	snop  }
0xa6: {  	v1 =	vadd.f32 v1, v4;
	v4 =	vmul.f32 $1.442695020e+00, v6  }
0xa7: {  	v2 =	vadd.f32 v3, v2  }
0xa8: {  	v6 =	vpop (erf);
	(erf) = vpow2.f32 v7;
	v1 =	vsub.f32 $0.0e+00, v1  }
0xa9: {  	v3 =	vadd.f32 $1.000000000e+00, v6;
	v6 =	vpop (erf);
	(erf) = vrcp.f32 v5;
	v2 =	vsub.f32 $0.0e+00, v2  }
0xaa: {  	(erf) = vpow2.f32 v4;
	v4 =	vpop (erf);
	v1 =	vmul.f32 $1.442695020e+00, v1  }
0xab: {  	(erf) = vrcp.f32 v3;
	v3 =	vadd.f32 $1.000000000e+00, v4;
	v2 =	vmul.f32 $1.442695020e+00, v2  }
0xac: {  	(erf) = vpow2.f32 v1  }
0xad: {  	(erf) = vrcp.f32 v3  }
0xae: {  	v1 =	vpop (erf);
	(erf) = vpow2.f32 v2  }
0xaf: {  	v2 =	vpop (erf)  }
0xb0: {  	v3 =	vpop (erf)  }
0xb1: {  	v4 =	vpop (erf)  }
0xb2: {  	v5 =	vpop (erf)  }
0xb3: {  	v7 =	vpop (erf)  }
0xb4: {  	v2 =	vadd.f32 $1.000000000e+00, v2;
	v8 =	vpop (erf)  }
0xb5: {  	v4 =	vadd.f32 $1.000000000e+00, v4;
	v9 =	vpop (erf)  }
0xb6: {  	(erf) = vrcp.f32 v2;
	v2 =	vadd.f32 $1.000000000e+00, v7;
	v7 =	vpop (erf)  }
0xb7: {  	(erf) = vrcp.f32 v4;
	v4 =	vadd.f32 $1.000000000e+00, v9;
	v63 =	vpop (erf)  }
0xb8: {  	(erf) = vrcp.f32 v2;
	v2 =	vadd.f32 $1.000000000e+00, v63  }
0xb9: {  	[tilespmem:s0+$0x0] =	vst v0;
	(erf) = vrcp.f32 v4  }
0xba: {  	s1 =	sadd.s32 $0x20, s1;
	[tilespmem:s0+$0xFFFFFFF0] =	vst v6;
	(erf) = vrcp.f32 v2  }
0xbb: {  	[tilespmem:s1+$0x0] =	vst v1  }
0xbc: {  	s14 =	sadd.s32 $0x20, s1;
	[tilespmem:s1+$0xFFFFFFF0] =	vst v3  }
0xbd: {  	[tilespmem:s14+$0x0] =	vst v5  }
0xbe: {  	s15 =	sadd.s32 $0x20, s14;
	[tilespmem:s14+$0xFFFFFFF0] =	vst v8  }
0xbf: {  	[tilespmem:s15+$0x0] =	vst v7;
	v0 =	vpop (erf)  }
0xc0: {  	s16 =	sadd.s32 $0x20, s15;
	[tilespmem:s15+$0xFFFFFFF0] =	vst v0;
	v0 =	vpop (erf)  }
0xc1: {  	[tilespmem:s16+$0x0] =	vst v0;
	v0 =	vpop (erf)  }
0xc2: {  	s14 =	sadd.s32 $0x20, s16;
	[tilespmem:s16+$0xFFFFFFF0] =	vst v0;
	v0 =	vpop (erf)  }
0xc3: {  	[tilespmem:s14+$0x0] =	vst v0;
	v0 =	vpop (erf)  }
0xc4: {  	[tilespmem:s14+$0xFFFFFFF0] =	vst v0  }
0xc5: {  	v0 =	vld [tilespmem:$0x5DB0]  }
0xc6: {  	v1 =	vld [tilespmem:$0x36A0];
	_ =	sdelay $0x4  }
0xc7: {  	v0 =	vadd.f32 v1, v0;
	_ =	sdelay $0x1  }
0xc8: {  	v0 =	vsub.f32 $0.0e+00, v0;
	_ =	sdelay $0x1  }
0xc9: {  	v0 =	vmul.f32 $1.442695020e+00, v0;
	_ =	sdelay $0x1  }
0xca: {  	(erf) = vpow2.f32 v0;
	_ =	sdelay $0x8  }
0xcb: {  	v0 =	vpop (erf)  }
0xcc: {  	v0 =	vadd.f32 $1.000000000e+00, v0;
	_ =	sdelay $0x1  }
0xcd: {  	(erf) = vrcp.f32 v0;
	_ =	sdelay $0x8  }
0xce: {  	v0 =	vpop (erf)  }
0xcf: {  	[tilespmem:$0x84C0] =	vst v0  }
0xd0: {  	[hbm4b:s7+s2] =	stream.linear.scatter [tilespmem:s25], [sflag:$0x2], $0x7D0, $0x38;
	[tilespmem:$0x9C40] =	vst v63  }
0xd1: {  	_ =	swait.ge [sflag:s23], $0x7D0  }
0xd2: {  	[sflag:s23] =	ssyncset.done $0x0  }
0xd3: {  	s15 =	simm.s32 $0x36C0;
	[sflag:s23] =	ssyncadd.s32 $0xFFFFF830  }
0xd4: {  	s16 =	simm.s32 $0x5DD0;
	v0 =	vld [tilespmem:s15+$0x0]  }
0xd5: {  	v1 =	vld [tilespmem:s16+$0x0];
	_ =	sdelay $0x1  }
0xd6: {  	v2 =	vld [tilespmem:s16+$0xFFFFFFF0]  }
0xd7: {  	v3 =	vld [tilespmem:s15+$0xFFFFFFF0]  }
0xd8: {  	s15 =	simm.s32 $0x5DF0  }
0xd9: {  	s14 =	simm.s32 $0x36E0;
	v4 =	vld [tilespmem:s15+$0x0];
	v0 =	vadd.f32 v0, v1  }
0xda: {  	v1 =	vld [tilespmem:s14+$0x0]  }
0xdb: {  	v5 =	vld [tilespmem:s15+$0xFFFFFFF0];
	v0 =	vsub.f32 $0.0e+00, v0  }
0xdc: {  	v2 =	vadd.f32 v3, v2;
	v3 =	vld [tilespmem:s14+$0xFFFFFFF0]  }
0xdd: {  	s16 =	simm.s32 $0x3700;
	v0 =	vmul.f32 $1.442695020e+00, v0  }
0xde: {  	v6 =	vld [tilespmem:s16+$0x0];
	s14 =	simm.s32 $0x5E10  }
0xdf: {  	v2 =	vsub.f32 $0.0e+00, v2;
	v1 =	vadd.f32 v1, v4;
	(erf) = vpow2.f32 v0;
	v0 =	vld [tilespmem:s14+$0x0]  }
0xe0: {  	s15 =	simm.s32 $0x3720  }
0xe1: {  	v7 =	vld [tilespmem:s15+$0xFFFFFFF0];
	v2 =	vmul.f32 $1.442695020e+00, v2;
	v3 =	vadd.f32 v3, v5;
	v1 =	vsub.f32 $0.0e+00, v1  }
0xe2: {  	v4 =	vld [tilespmem:s14+$0xFFFFFFF0]  }
0xe3: {  	(erf) = vpow2.f32 v2;
	v2 =	vld [tilespmem:s16+$0xFFFFFFF0];
	v3 =	vsub.f32 $0.0e+00, v3;
	v1 =	vmul.f32 $1.442695020e+00, v1  }
0xe4: {  	v5 =	vld [tilespmem:s15+$0x0];
	s16 =	simm.s32 $0x5E30;
	v0 =	vadd.f32 v6, v0  }
0xe5: {  	v3 =	vmul.f32 $1.442695020e+00, v3;
	(erf) = vpow2.f32 v1;
	v1 =	vld [tilespmem:s16+$0x0]  }
0xe6: {  	v6 =	vld [tilespmem:s16+$0xFFFFFFF0];
	v0 =	vsub.f32 $0.0e+00, v0;
	_ =	sdelay $0x1  }
0xe7: {  	(erf) = vpow2.f32 v3;
	v2 =	vadd.f32 v2, v4;
	v0 =	vmul.f32 $1.442695020e+00, v0  }
0xe8: {  	v3 =	vpop (erf)  }
0xe9: {  	s15 =	simm.s32 $0x3740;
	v3 =	vadd.f32 $1.000000000e+00, v3;
	(erf) = vpow2.f32 v0;
	v0 =	vsub.f32 $0.0e+00, v2  }
0xea: {  	s14 =	simm.s32 $0x5E50;
	v8 =	vld [tilespmem:s15+$0x0];
	v1 =	vadd.f32 v5, v1;
	v6 =	vadd.f32 v7, v6  }
0xeb: {  	v4 =	vld [tilespmem:s14+$0xFFFFFFF0];
	v0 =	vmul.f32 $1.442695020e+00, v0  }
0xec: {  	v5 =	vpop (erf);
	v2 =	vld [tilespmem:s14+$0x0];
	(erf) = vrcp.f32 v3;
	v1 =	vsub.f32 $0.0e+00, v1  }
0xed: {  	v5 =	vadd.f32 $1.000000000e+00, v5;
	v3 =	vld [tilespmem:s15+$0xFFFFFFF0];
	(erf) = vpow2.f32 v0;
	v0 =	vsub.f32 $0.0e+00, v6  }
0xee: {  	v1 =	vmul.f32 $1.442695020e+00, v1;
	v6 =	vpop (erf)  }
0xef: {  	(erf) = vrcp.f32 v5;
	v5 =	vadd.f32 $1.000000000e+00, v6;
	v0 =	vmul.f32 $1.442695020e+00, v0  }
0xf0: {  	s16 =	simm.s32 $0x5E70;
	v7 =	vpop (erf);
	(erf) = vpow2.f32 v1  }
0xf1: {  	s14 =	simm.s32 $0x3760;
	v6 =	vadd.f32 v8, v2;
	v2 =	vld [tilespmem:s16+$0xFFFFFFF0];
	v7 =	vadd.f32 $1.000000000e+00, v7;
	(erf) = vrcp.f32 v5  }
0xf2: {  	v3 =	vadd.f32 v3, v4;
	v1 =	vld [tilespmem:s14+$0x0];
	(erf) = vpow2.f32 v0  }
0xf3: {  	v4 =	vld [tilespmem:s16+$0x0];
	v5 =	vsub.f32 $0.0e+00, v6;
	v0 =	vpop (erf);
	(erf) = vrcp.f32 v7  }
0xf4: {  	s0 =	simm.s32 $0x84E0;
	v6 =	vsub.f32 $0.0e+00, v3;
	v3 =	vld [tilespmem:s14+$0xFFFFFFF0]  }
0xf5: {  	s1 =	simm.s32 $0x84E0;
	s15 =	simm.s32 $0xA;
	s16 =	simm.s32 $0x5E90;
	v7 =	vmul.f32 $1.442695020e+00, v5;
	v5 =	vadd.f32 $1.000000000e+00, v0;
	v0 =	vpop (erf)  }
.LBB2_6:
0xf6: {  	s15 =	sadd.s32 $0x2, s15  }
0xf7: {  	v8 =	vld [tilespmem:s16+$0xFFFFFFF0];
	s14 =	sadd.s32 $0x20, s14;
	v6 =	vmul.f32 $1.442695020e+00, v6;
	v9 =	vpop (erf);
	s1 =	sadd.s32 $0x20, s1;
	p0 =	slt.u32 s15, $0x7A  }
.Ltmp2:
0xf8: {  	v10 =	vadd.f32 v1, v4;
	v1 =	vld [tilespmem:s14+$0x0];
	(erf) = vpow2.f32 v7;
	v7 =	vadd.f32 $1.000000000e+00, v9;
	[tilespmem:s0+$0x0] =	vst v0;
	v0 =	vpop (erf);
	(pc) =	sbr.rel @p0 .LBB2_6-.Ltmp2, $4  }
0xf9: {  	v4 =	vld [tilespmem:s16+$0x0];
	v9 =	vadd.f32 v3, v2;
	(erf) = vrcp.f32 v5;
	[tilespmem:s0+$0xFFFFFFF0] =	vst v0;
	s0 =	smov.u32 s1  }
0xfa: {  	v3 =	vld [tilespmem:s14+$0xFFFFFFF0];
	v10 =	vsub.f32 $0.0e+00, v10;
	(erf) = vpow2.f32 v6  }
0xfb: {  	v6 =	vsub.f32 $0.0e+00, v9;
	v2 =	vpop (erf);
	(erf) = vrcp.f32 v7  }
0xfc: {  	s16 =	sadd.s32 $0x20, s16;
	v7 =	vmul.f32 $1.442695020e+00, v10;
	v5 =	vadd.f32 $1.000000000e+00, v2;
	v0 =	vpop (erf);
	v2 =	vmov v8  }
0xfd: {  	_ = 	snop  }
0xfe: {  	v1 =	vadd.f32 v1, v4;
	v4 =	vmul.f32 $1.442695020e+00, v6  }
0xff: {  	v2 =	vadd.f32 v3, v2  }
0x100: {  	v6 =	vpop (erf);
	(erf) = vpow2.f32 v7;
	v1 =	vsub.f32 $0.0e+00, v1  }
0x101: {  	v3 =	vadd.f32 $1.000000000e+00, v6;
	v6 =	vpop (erf);
	(erf) = vrcp.f32 v5;
	v2 =	vsub.f32 $0.0e+00, v2  }
0x102: {  	(erf) = vpow2.f32 v4;
	v4 =	vpop (erf);
	v1 =	vmul.f32 $1.442695020e+00, v1  }
0x103: {  	(erf) = vrcp.f32 v3;
	v3 =	vadd.f32 $1.000000000e+00, v4;
	v2 =	vmul.f32 $1.442695020e+00, v2  }
0x104: {  	(erf) = vpow2.f32 v1  }
0x105: {  	(erf) = vrcp.f32 v3  }
0x106: {  	v1 =	vpop (erf);
	(erf) = vpow2.f32 v2  }
0x107: {  	v2 =	vpop (erf)  }
0x108: {  	v3 =	vpop (erf)  }
0x109: {  	v4 =	vpop (erf)  }
0x10a: {  	v5 =	vpop (erf)  }
0x10b: {  	v7 =	vpop (erf)  }
0x10c: {  	v2 =	vadd.f32 $1.000000000e+00, v2;
	v8 =	vpop (erf)  }
0x10d: {  	v4 =	vadd.f32 $1.000000000e+00, v4;
	v9 =	vpop (erf)  }
0x10e: {  	(erf) = vrcp.f32 v2;
	v2 =	vadd.f32 $1.000000000e+00, v7;
	v7 =	vpop (erf)  }
0x10f: {  	(erf) = vrcp.f32 v4;
	v4 =	vadd.f32 $1.000000000e+00, v9;
	v63 =	vpop (erf)  }
0x110: {  	(erf) = vrcp.f32 v2;
	v2 =	vadd.f32 $1.000000000e+00, v63  }
0x111: {  	[tilespmem:s0+$0x0] =	vst v0;
	(erf) = vrcp.f32 v4  }
0x112: {  	s1 =	sadd.s32 $0x20, s1;
	[tilespmem:s0+$0xFFFFFFF0] =	vst v6;
	(erf) = vrcp.f32 v2  }
0x113: {  	[tilespmem:s1+$0x0] =	vst v1  }
0x114: {  	s14 =	sadd.s32 $0x20, s1;
	[tilespmem:s1+$0xFFFFFFF0] =	vst v3  }
0x115: {  	[tilespmem:s14+$0x0] =	vst v5  }
0x116: {  	s15 =	sadd.s32 $0x20, s14;
	[tilespmem:s14+$0xFFFFFFF0] =	vst v8  }
0x117: {  	[tilespmem:s15+$0x0] =	vst v7;
	v0 =	vpop (erf)  }
0x118: {  	s16 =	sadd.s32 $0x20, s15;
	[tilespmem:s15+$0xFFFFFFF0] =	vst v0;
	v0 =	vpop (erf)  }
0x119: {  	[tilespmem:s16+$0x0] =	vst v0;
	v0 =	vpop (erf)  }
0x11a: {  	s14 =	sadd.s32 $0x20, s16;
	[tilespmem:s16+$0xFFFFFFF0] =	vst v0;
	v0 =	vpop (erf)  }
0x11b: {  	[tilespmem:s14+$0x0] =	vst v0;
	v0 =	vpop (erf)  }
0x11c: {  	[tilespmem:s14+$0xFFFFFFF0] =	vst v0  }
0x11d: {  	v0 =	vld [tilespmem:$0x6580]  }
0x11e: {  	v1 =	vld [tilespmem:$0x3E70];
	_ =	sdelay $0x4  }
0x11f: {  	v0 =	vadd.f32 v1, v0;
	_ =	sdelay $0x1  }
0x120: {  	v0 =	vsub.f32 $0.0e+00, v0;
	_ =	sdelay $0x1  }
0x121: {  	v0 =	vmul.f32 $1.442695020e+00, v0;
	_ =	sdelay $0x1  }
0x122: {  	(erf) = vpow2.f32 v0;
	_ =	sdelay $0x8  }
0x123: {  	v0 =	vpop (erf)  }
0x124: {  	v0 =	vadd.f32 $1.000000000e+00, v0;
	_ =	sdelay $0x1  }
0x125: {  	(erf) = vrcp.f32 v0;
	_ =	sdelay $0x8  }
0x126: {  	v0 =	vpop (erf)  }
0x127: {  	[tilespmem:$0x8C90] =	vst v0  }
0x128: {  	[hbm4b:s8+s2] =	stream.linear.scatter [tilespmem:s26], [sflag:$0x2], $0x7D0, $0x38;
	[tilespmem:$0x9C40] =	vst v63  }
0x129: {  	_ =	swait.ge [sflag:s23], $0x7D0  }
0x12a: {  	[sflag:s23] =	ssyncset.done $0x0  }
0x12b: {  	s15 =	simm.s32 $0x3E90;
	[sflag:s23] =	ssyncadd.s32 $0xFFFFF830  }
0x12c: {  	s16 =	simm.s32 $0x65A0;
	v0 =	vld [tilespmem:s15+$0x0]  }
0x12d: {  	v1 =	vld [tilespmem:s16+$0x0];
	_ =	sdelay $0x1  }
0x12e: {  	v2 =	vld [tilespmem:s16+$0xFFFFFFF0]  }
0x12f: {  	v3 =	vld [tilespmem:s15+$0xFFFFFFF0]  }
0x130: {  	s15 =	simm.s32 $0x65C0  }
0x131: {  	s14 =	simm.s32 $0x3EB0;
	v4 =	vld [tilespmem:s15+$0x0];
	v0 =	vadd.f32 v0, v1  }
0x132: {  	v1 =	vld [tilespmem:s14+$0x0]  }
0x133: {  	v5 =	vld [tilespmem:s15+$0xFFFFFFF0];
	v0 =	vsub.f32 $0.0e+00, v0  }
0x134: {  	v2 =	vadd.f32 v3, v2;
	v3 =	vld [tilespmem:s14+$0xFFFFFFF0]  }
0x135: {  	s16 =	simm.s32 $0x3ED0;
	v0 =	vmul.f32 $1.442695020e+00, v0  }
0x136: {  	v6 =	vld [tilespmem:s16+$0x0];
	s14 =	simm.s32 $0x65E0  }
0x137: {  	v2 =	vsub.f32 $0.0e+00, v2;
	v1 =	vadd.f32 v1, v4;
	(erf) = vpow2.f32 v0;
	v0 =	vld [tilespmem:s14+$0x0]  }
0x138: {  	s15 =	simm.s32 $0x3EF0  }
0x139: {  	v7 =	vld [tilespmem:s15+$0xFFFFFFF0];
	v2 =	vmul.f32 $1.442695020e+00, v2;
	v3 =	vadd.f32 v3, v5;
	v1 =	vsub.f32 $0.0e+00, v1  }
0x13a: {  	v4 =	vld [tilespmem:s14+$0xFFFFFFF0]  }
0x13b: {  	(erf) = vpow2.f32 v2;
	v2 =	vld [tilespmem:s16+$0xFFFFFFF0];
	v3 =	vsub.f32 $0.0e+00, v3;
	v1 =	vmul.f32 $1.442695020e+00, v1  }
0x13c: {  	v5 =	vld [tilespmem:s15+$0x0];
	s16 =	simm.s32 $0x6600;
	v0 =	vadd.f32 v6, v0  }
0x13d: {  	v3 =	vmul.f32 $1.442695020e+00, v3;
	(erf) = vpow2.f32 v1;
	v1 =	vld [tilespmem:s16+$0x0]  }
0x13e: {  	v6 =	vld [tilespmem:s16+$0xFFFFFFF0];
	v0 =	vsub.f32 $0.0e+00, v0;
	_ =	sdelay $0x1  }
0x13f: {  	(erf) = vpow2.f32 v3;
	v2 =	vadd.f32 v2, v4;
	v0 =	vmul.f32 $1.442695020e+00, v0  }
0x140: {  	v3 =	vpop (erf)  }
0x141: {  	s15 =	simm.s32 $0x3F10;
	v3 =	vadd.f32 $1.000000000e+00, v3;
	(erf) = vpow2.f32 v0;
	v0 =	vsub.f32 $0.0e+00, v2  }
0x142: {  	s14 =	simm.s32 $0x6620;
	v8 =	vld [tilespmem:s15+$0x0];
	v1 =	vadd.f32 v5, v1;
	v6 =	vadd.f32 v7, v6  }
0x143: {  	v4 =	vld [tilespmem:s14+$0xFFFFFFF0];
	v0 =	vmul.f32 $1.442695020e+00, v0  }
0x144: {  	v5 =	vpop (erf);
	v2 =	vld [tilespmem:s14+$0x0];
	(erf) = vrcp.f32 v3;
	v1 =	vsub.f32 $0.0e+00, v1  }
0x145: {  	v5 =	vadd.f32 $1.000000000e+00, v5;
	v3 =	vld [tilespmem:s15+$0xFFFFFFF0];
	(erf) = vpow2.f32 v0;
	v0 =	vsub.f32 $0.0e+00, v6  }
0x146: {  	v1 =	vmul.f32 $1.442695020e+00, v1;
	v6 =	vpop (erf)  }
0x147: {  	(erf) = vrcp.f32 v5;
	v5 =	vadd.f32 $1.000000000e+00, v6;
	v0 =	vmul.f32 $1.442695020e+00, v0  }
0x148: {  	s16 =	simm.s32 $0x6640;
	v7 =	vpop (erf);
	(erf) = vpow2.f32 v1  }
0x149: {  	s14 =	simm.s32 $0x3F30;
	v6 =	vadd.f32 v8, v2;
	v2 =	vld [tilespmem:s16+$0xFFFFFFF0];
	v7 =	vadd.f32 $1.000000000e+00, v7;
	(erf) = vrcp.f32 v5  }
0x14a: {  	v3 =	vadd.f32 v3, v4;
	v1 =	vld [tilespmem:s14+$0x0];
	(erf) = vpow2.f32 v0  }
0x14b: {  	v4 =	vld [tilespmem:s16+$0x0];
	v5 =	vsub.f32 $0.0e+00, v6;
	v0 =	vpop (erf);
	(erf) = vrcp.f32 v7  }
0x14c: {  	s0 =	simm.s32 $0x8CB0;
	v6 =	vsub.f32 $0.0e+00, v3;
	v3 =	vld [tilespmem:s14+$0xFFFFFFF0]  }
0x14d: {  	s1 =	simm.s32 $0x8CB0;
	s15 =	simm.s32 $0xA;
	s16 =	simm.s32 $0x6660;
	v7 =	vmul.f32 $1.442695020e+00, v5;
	v5 =	vadd.f32 $1.000000000e+00, v0;
	v0 =	vpop (erf)  }
.LBB2_8:
0x14e: {  	s15 =	sadd.s32 $0x2, s15  }
0x14f: {  	v8 =	vld [tilespmem:s16+$0xFFFFFFF0];
	s14 =	sadd.s32 $0x20, s14;
	v6 =	vmul.f32 $1.442695020e+00, v6;
	v9 =	vpop (erf);
	s1 =	sadd.s32 $0x20, s1;
	p0 =	slt.u32 s15, $0x7A  }
.Ltmp3:
0x150: {  	v10 =	vadd.f32 v1, v4;
	v1 =	vld [tilespmem:s14+$0x0];
	(erf) = vpow2.f32 v7;
	v7 =	vadd.f32 $1.000000000e+00, v9;
	[tilespmem:s0+$0x0] =	vst v0;
	v0 =	vpop (erf);
	(pc) =	sbr.rel @p0 .LBB2_8-.Ltmp3, $4  }
0x151: {  	v4 =	vld [tilespmem:s16+$0x0];
	v9 =	vadd.f32 v3, v2;
	(erf) = vrcp.f32 v5;
	[tilespmem:s0+$0xFFFFFFF0] =	vst v0;
	s0 =	smov.u32 s1  }
0x152: {  	v3 =	vld [tilespmem:s14+$0xFFFFFFF0];
	v10 =	vsub.f32 $0.0e+00, v10;
	(erf) = vpow2.f32 v6  }
0x153: {  	v6 =	vsub.f32 $0.0e+00, v9;
	v2 =	vpop (erf);
	(erf) = vrcp.f32 v7  }
0x154: {  	s16 =	sadd.s32 $0x20, s16;
	v7 =	vmul.f32 $1.442695020e+00, v10;
	v5 =	vadd.f32 $1.000000000e+00, v2;
	v0 =	vpop (erf);
	v2 =	vmov v8  }
0x155: {  	_ = 	snop  }
0x156: {  	v1 =	vadd.f32 v1, v4;
	v4 =	vmul.f32 $1.442695020e+00, v6  }
0x157: {  	v2 =	vadd.f32 v3, v2  }
0x158: {  	v6 =	vpop (erf);
	(erf) = vpow2.f32 v7;
	v1 =	vsub.f32 $0.0e+00, v1  }
0x159: {  	v3 =	vadd.f32 $1.000000000e+00, v6;
	v6 =	vpop (erf);
	(erf) = vrcp.f32 v5;
	v2 =	vsub.f32 $0.0e+00, v2  }
0x15a: {  	(erf) = vpow2.f32 v4;
	v4 =	vpop (erf);
	v1 =	vmul.f32 $1.442695020e+00, v1  }
0x15b: {  	(erf) = vrcp.f32 v3;
	v3 =	vadd.f32 $1.000000000e+00, v4;
	v2 =	vmul.f32 $1.442695020e+00, v2  }
0x15c: {  	(erf) = vpow2.f32 v1  }
0x15d: {  	(erf) = vrcp.f32 v3  }
0x15e: {  	v1 =	vpop (erf);
	(erf) = vpow2.f32 v2  }
0x15f: {  	v2 =	vpop (erf)  }
0x160: {  	v3 =	vpop (erf)  }
0x161: {  	v4 =	vpop (erf)  }
0x162: {  	v5 =	vpop (erf)  }
0x163: {  	v7 =	vpop (erf)  }
0x164: {  	v2 =	vadd.f32 $1.000000000e+00, v2;
	v8 =	vpop (erf)  }
0x165: {  	v4 =	vadd.f32 $1.000000000e+00, v4;
	v9 =	vpop (erf)  }
0x166: {  	(erf) = vrcp.f32 v2;
	v2 =	vadd.f32 $1.000000000e+00, v7;
	v7 =	vpop (erf)  }
0x167: {  	(erf) = vrcp.f32 v4;
	v4 =	vadd.f32 $1.000000000e+00, v9;
	v63 =	vpop (erf)  }
0x168: {  	(erf) = vrcp.f32 v2;
	v2 =	vadd.f32 $1.000000000e+00, v63  }
0x169: {  	[tilespmem:s0+$0x0] =	vst v0;
	(erf) = vrcp.f32 v4  }
0x16a: {  	s1 =	sadd.s32 $0x20, s1;
	[tilespmem:s0+$0xFFFFFFF0] =	vst v6;
	(erf) = vrcp.f32 v2  }
0x16b: {  	[tilespmem:s1+$0x0] =	vst v1  }
0x16c: {  	s14 =	sadd.s32 $0x20, s1;
	[tilespmem:s1+$0xFFFFFFF0] =	vst v3  }
0x16d: {  	[tilespmem:s14+$0x0] =	vst v5  }
0x16e: {  	s15 =	sadd.s32 $0x20, s14;
	[tilespmem:s14+$0xFFFFFFF0] =	vst v8  }
0x16f: {  	[tilespmem:s15+$0x0] =	vst v7;
	v0 =	vpop (erf)  }
0x170: {  	s16 =	sadd.s32 $0x20, s15;
	[tilespmem:s15+$0xFFFFFFF0] =	vst v0;
	v0 =	vpop (erf)  }
0x171: {  	[tilespmem:s16+$0x0] =	vst v0;
	v0 =	vpop (erf)  }
0x172: {  	s14 =	sadd.s32 $0x20, s16;
	[tilespmem:s16+$0xFFFFFFF0] =	vst v0;
	v0 =	vpop (erf)  }
0x173: {  	[tilespmem:s14+$0x0] =	vst v0;
	v0 =	vpop (erf)  }
0x174: {  	[tilespmem:s14+$0xFFFFFFF0] =	vst v0  }
0x175: {  	v0 =	vld [tilespmem:$0x6D50]  }
0x176: {  	v1 =	vld [tilespmem:$0x4640];
	_ =	sdelay $0x4  }
0x177: {  	v0 =	vadd.f32 v1, v0;
	_ =	sdelay $0x1  }
0x178: {  	v0 =	vsub.f32 $0.0e+00, v0;
	_ =	sdelay $0x1  }
0x179: {  	v0 =	vmul.f32 $1.442695020e+00, v0;
	_ =	sdelay $0x1  }
0x17a: {  	(erf) = vpow2.f32 v0;
	_ =	sdelay $0x8  }
0x17b: {  	v0 =	vpop (erf)  }
0x17c: {  	v0 =	vadd.f32 $1.000000000e+00, v0;
	_ =	sdelay $0x1  }
0x17d: {  	(erf) = vrcp.f32 v0;
	_ =	sdelay $0x8  }
0x17e: {  	v0 =	vpop (erf)  }
0x17f: {  	[tilespmem:$0x9460] =	vst v0  }
0x180: {  	[hbm4b:s9+s2] =	stream.linear.scatter [tilespmem:s28], [sflag:$0x2], $0x7D0, $0x38;
	[tilespmem:$0x9C40] =	vst v63  }
0x181: {  	_ =	swait.ge [sflag:s23], $0x7D0  }
0x182: {  	[sflag:s23] =	ssyncset.done $0x0  }
0x183: {  	s15 =	simm.s32 $0x4660;
	[sflag:s23] =	ssyncadd.s32 $0xFFFFF830  }
0x184: {  	s16 =	simm.s32 $0x6D70;
	v0 =	vld [tilespmem:s15+$0x0]  }
0x185: {  	v1 =	vld [tilespmem:s16+$0x0];
	_ =	sdelay $0x1  }
0x186: {  	v2 =	vld [tilespmem:s16+$0xFFFFFFF0]  }
0x187: {  	v3 =	vld [tilespmem:s15+$0xFFFFFFF0]  }
0x188: {  	s15 =	simm.s32 $0x6D90  }
0x189: {  	s14 =	simm.s32 $0x4680;
	v4 =	vld [tilespmem:s15+$0x0];
	v0 =	vadd.f32 v0, v1  }
0x18a: {  	v1 =	vld [tilespmem:s14+$0x0]  }
0x18b: {  	v5 =	vld [tilespmem:s15+$0xFFFFFFF0];
	v0 =	vsub.f32 $0.0e+00, v0  }
0x18c: {  	v2 =	vadd.f32 v3, v2;
	v3 =	vld [tilespmem:s14+$0xFFFFFFF0]  }
0x18d: {  	s16 =	simm.s32 $0x46A0;
	v0 =	vmul.f32 $1.442695020e+00, v0  }
0x18e: {  	v6 =	vld [tilespmem:s16+$0x0];
	s14 =	simm.s32 $0x6DB0  }
0x18f: {  	v2 =	vsub.f32 $0.0e+00, v2;
	v1 =	vadd.f32 v1, v4;
	(erf) = vpow2.f32 v0;
	v0 =	vld [tilespmem:s14+$0x0]  }
0x190: {  	s15 =	simm.s32 $0x46C0  }
0x191: {  	v7 =	vld [tilespmem:s15+$0xFFFFFFF0];
	v2 =	vmul.f32 $1.442695020e+00, v2;
	v3 =	vadd.f32 v3, v5;
	v1 =	vsub.f32 $0.0e+00, v1  }
0x192: {  	v4 =	vld [tilespmem:s14+$0xFFFFFFF0]  }
0x193: {  	(erf) = vpow2.f32 v2;
	v2 =	vld [tilespmem:s16+$0xFFFFFFF0];
	v3 =	vsub.f32 $0.0e+00, v3;
	v1 =	vmul.f32 $1.442695020e+00, v1  }
0x194: {  	v5 =	vld [tilespmem:s15+$0x0];
	s16 =	simm.s32 $0x6DD0;
	v0 =	vadd.f32 v6, v0  }
0x195: {  	v3 =	vmul.f32 $1.442695020e+00, v3;
	(erf) = vpow2.f32 v1;
	v1 =	vld [tilespmem:s16+$0x0]  }
0x196: {  	v6 =	vld [tilespmem:s16+$0xFFFFFFF0];
	v0 =	vsub.f32 $0.0e+00, v0;
	_ =	sdelay $0x1  }
0x197: {  	(erf) = vpow2.f32 v3;
	v2 =	vadd.f32 v2, v4;
	v0 =	vmul.f32 $1.442695020e+00, v0  }
0x198: {  	v3 =	vpop (erf)  }
0x199: {  	s15 =	simm.s32 $0x46E0;
	v3 =	vadd.f32 $1.000000000e+00, v3;
	(erf) = vpow2.f32 v0;
	v0 =	vsub.f32 $0.0e+00, v2  }
0x19a: {  	s14 =	simm.s32 $0x6DF0;
	v8 =	vld [tilespmem:s15+$0x0];
	v1 =	vadd.f32 v5, v1;
	v6 =	vadd.f32 v7, v6  }
0x19b: {  	v4 =	vld [tilespmem:s14+$0xFFFFFFF0];
	v0 =	vmul.f32 $1.442695020e+00, v0  }
0x19c: {  	v5 =	vpop (erf);
	v2 =	vld [tilespmem:s14+$0x0];
	(erf) = vrcp.f32 v3;
	v1 =	vsub.f32 $0.0e+00, v1  }
0x19d: {  	v5 =	vadd.f32 $1.000000000e+00, v5;
	v3 =	vld [tilespmem:s15+$0xFFFFFFF0];
	(erf) = vpow2.f32 v0;
	v0 =	vsub.f32 $0.0e+00, v6  }
0x19e: {  	v1 =	vmul.f32 $1.442695020e+00, v1;
	v6 =	vpop (erf)  }
0x19f: {  	(erf) = vrcp.f32 v5;
	v5 =	vadd.f32 $1.000000000e+00, v6;
	v0 =	vmul.f32 $1.442695020e+00, v0  }
0x1a0: {  	s16 =	simm.s32 $0x6E10;
	v7 =	vpop (erf);
	(erf) = vpow2.f32 v1  }
0x1a1: {  	s14 =	simm.s32 $0x4700;
	v6 =	vadd.f32 v8, v2;
	v2 =	vld [tilespmem:s16+$0xFFFFFFF0];
	v7 =	vadd.f32 $1.000000000e+00, v7;
	(erf) = vrcp.f32 v5  }
0x1a2: {  	v3 =	vadd.f32 v3, v4;
	v1 =	vld [tilespmem:s14+$0x0];
	(erf) = vpow2.f32 v0  }
0x1a3: {  	v4 =	vld [tilespmem:s16+$0x0];
	v5 =	vsub.f32 $0.0e+00, v6;
	v0 =	vpop (erf);
	(erf) = vrcp.f32 v7  }
0x1a4: {  	s0 =	simm.s32 $0x9480;
	v6 =	vsub.f32 $0.0e+00, v3;
	v3 =	vld [tilespmem:s14+$0xFFFFFFF0]  }
0x1a5: {  	s1 =	simm.s32 $0x9480;
	s15 =	simm.s32 $0xA;
	s16 =	simm.s32 $0x6E30;
	v7 =	vmul.f32 $1.442695020e+00, v5;
	v5 =	vadd.f32 $1.000000000e+00, v0;
	v0 =	vpop (erf)  }
.LBB2_10:
0x1a6: {  	s15 =	sadd.s32 $0x2, s15  }
0x1a7: {  	v8 =	vld [tilespmem:s16+$0xFFFFFFF0];
	s14 =	sadd.s32 $0x20, s14;
	v6 =	vmul.f32 $1.442695020e+00, v6;
	v9 =	vpop (erf);
	s1 =	sadd.s32 $0x20, s1;
	p0 =	slt.u32 s15, $0x7A  }
.Ltmp4:
0x1a8: {  	v10 =	vadd.f32 v1, v4;
	v1 =	vld [tilespmem:s14+$0x0];
	(erf) = vpow2.f32 v7;
	v7 =	vadd.f32 $1.000000000e+00, v9;
	[tilespmem:s0+$0x0] =	vst v0;
	v0 =	vpop (erf);
	(pc) =	sbr.rel @p0 .LBB2_10-.Ltmp4, $4  }
0x1a9: {  	v4 =	vld [tilespmem:s16+$0x0];
	v9 =	vadd.f32 v3, v2;
	(erf) = vrcp.f32 v5;
	[tilespmem:s0+$0xFFFFFFF0] =	vst v0;
	s0 =	smov.u32 s1  }
0x1aa: {  	v3 =	vld [tilespmem:s14+$0xFFFFFFF0];
	v10 =	vsub.f32 $0.0e+00, v10;
	(erf) = vpow2.f32 v6  }
0x1ab: {  	v6 =	vsub.f32 $0.0e+00, v9;
	v2 =	vpop (erf);
	(erf) = vrcp.f32 v7  }
0x1ac: {  	s16 =	sadd.s32 $0x20, s16;
	v7 =	vmul.f32 $1.442695020e+00, v10;
	v5 =	vadd.f32 $1.000000000e+00, v2;
	v0 =	vpop (erf);
	v2 =	vmov v8  }
0x1ad: {  	_ = 	snop  }
0x1ae: {  	v1 =	vadd.f32 v1, v4  }
0x1af: {  	v43 =	vmul.f32 $1.442695020e+00, v6  }
0x1b0: {  	v44 =	vpop (erf);
	(erf) = vpow2.f32 v7;
	v2 =	vadd.f32 v3, v2;
	v1 =	vsub.f32 $0.0e+00, v1  }
0x1b1: {  	v45 =	vadd.f32 $1.000000000e+00, v44;
	v46 =	vpop (erf);
	(erf) = vrcp.f32 v5  }
0x1b2: {  	(erf) = vpow2.f32 v43;
	v2 =	vsub.f32 $0.0e+00, v2;
	v47 =	vpop (erf);
	v1 =	vmul.f32 $1.442695020e+00, v1  }
0x1b3: {  	(erf) = vrcp.f32 v45;
	v48 =	vadd.f32 $1.000000000e+00, v47  }
0x1b4: {  	v2 =	vmul.f32 $1.442695020e+00, v2;
	(erf) = vpow2.f32 v1  }
0x1b5: {  	(erf) = vrcp.f32 v48  }
0x1b6: {  	v49 =	vpop (erf);
	(erf) = vpow2.f32 v2  }
0x1b7: {  	v50 =	vpop (erf)  }
0x1b8: {  	v51 =	vpop (erf)  }
0x1b9: {  	v52 =	vpop (erf)  }
0x1ba: {  	v5 =	vpop (erf)  }
0x1bb: {  	v53 =	vpop (erf)  }
0x1bc: {  	v2 =	vadd.f32 $1.000000000e+00, v50;
	v8 =	vpop (erf)  }
0x1bd: {  	v4 =	vadd.f32 $1.000000000e+00, v52;
	v9 =	vpop (erf)  }
0x1be: {  	(erf) = vrcp.f32 v2;
	v54 =	vadd.f32 $1.000000000e+00, v53;
	v55 =	vpop (erf)  }
0x1bf: {  	(erf) = vrcp.f32 v4;
	v56 =	vadd.f32 $1.000000000e+00, v9;
	v57 =	vpop (erf)  }
0x1c0: {  	(erf) = vrcp.f32 v54;
	v58 =	vadd.f32 $1.000000000e+00, v57  }
0x1c1: {  	[tilespmem:s0+$0x0] =	vst v0;
	(erf) = vrcp.f32 v56  }
0x1c2: {  	s1 =	sadd.s32 $0x20, s1;
	[tilespmem:s0+$0xFFFFFFF0] =	vst v46;
	(erf) = vrcp.f32 v58  }
0x1c3: {  	[tilespmem:s1+$0x0] =	vst v49  }
0x1c4: {  	s16 =	sadd.s32 $0x20, s1;
	[tilespmem:s1+$0xFFFFFFF0] =	vst v51  }
0x1c5: {  	[tilespmem:s16+$0x0] =	vst v5  }
0x1c6: {  	s14 =	sadd.s32 $0x20, s16;
	[tilespmem:s16+$0xFFFFFFF0] =	vst v8  }
0x1c7: {  	[tilespmem:s14+$0x0] =	vst v55;
	v59 =	vpop (erf)  }
0x1c8: {  	s15 =	sadd.s32 $0x20, s14;
	[tilespmem:s14+$0xFFFFFFF0] =	vst v59;
	v60 =	vpop (erf)  }
0x1c9: {  	[tilespmem:s15+$0x0] =	vst v60;
	v61 =	vpop (erf)  }
0x1ca: {  	s16 =	sadd.s32 $0x20, s15;
	[tilespmem:s15+$0xFFFFFFF0] =	vst v61;
	v62 =	vpop (erf)  }
0x1cb: {  	[tilespmem:s16+$0x0] =	vst v62;
	v63 =	vpop (erf)  }
0x1cc: {  	[tilespmem:s16+$0xFFFFFFF0] =	vst v63  }
0x1cd: {  	v0 =	vld [tilespmem:$0x7520]  }
0x1ce: {  	v1 =	vld [tilespmem:$0x4E10];
	_ =	sdelay $0x4  }
0x1cf: {  	v0 =	vadd.f32 v1, v0;
	_ =	sdelay $0x1  }
0x1d0: {  	v0 =	vsub.f32 $0.0e+00, v0;
	_ =	sdelay $0x1  }
0x1d1: {  	v0 =	vmul.f32 $1.442695020e+00, v0;
	_ =	sdelay $0x1  }
0x1d2: {  	(erf) = vpow2.f32 v0;
	_ =	sdelay $0x8  }
0x1d3: {  	v0 =	vpop (erf)  }
0x1d4: {  	v0 =	vadd.f32 $1.000000000e+00, v0;
	_ =	sdelay $0x1  }
0x1d5: {  	(erf) = vrcp.f32 v0;
	_ =	sdelay $0x8  }
0x1d6: {  	v0 =	vpop (erf)  }
0x1d7: {  	[tilespmem:$0x9C30] =	vst v0  }
0x1d8: {  	[hbm4b:s10+s2] =	stream.linear.scatter [tilespmem:s29], [sflag:$0x2], $0x7D0, $0x38;
	[tilespmem:$0x9C40] =	vst v63  }
0x1d9: {  	_ =	swait.ge [sflag:s30], $0x7D0  }
0x1da: {  	[sflag:s30] =	ssyncset.done $0x0  }
0x1db: {  	[sflag:s30] =	ssyncadd.s32 $0xFFFFF830  }
0x1dc: {  	_ =	swait.ge [sflag:s30], $0x7D0  }
0x1dd: {  	[sflag:s30] =	ssyncset.done $0x0  }
0x1de: {  	[sflag:s30] =	ssyncadd.s32 $0xFFFFF830  }
0x1df: {  	_ =	swait.ge [sflag:s30], $0x7D0  }
0x1e0: {  	[sflag:s30] =	ssyncset.done $0x0  }
0x1e1: {  	s31 =	sadd.s32 $0x1, s31;
	[sflag:s30] =	ssyncadd.s32 $0xFFFFF830  }
0x1e2: {  	p0 =	sne.s32 s31, s11;
	_ =	swait.ge [sflag:s30], $0x7D0  }
.Ltmp5:
0x1e3: {  	[sflag:s30] =	ssyncset.done $0x0;
	(pc) =	sbr.rel @p0 .LBB2_1-.Ltmp5, $4  }
0x1e4: {  	[sflag:s30] =	ssyncadd.s32 $0xFFFFF830  }
0x1e5: {  	_ =	swait.ge [sflag:s30], $0x7D0  }
0x1e6: {  	[sflag:s30] =	ssyncset.done $0x0  }
0x1e7: {  	[sflag:s30] =	ssyncadd.s32 $0xFFFFF830  }
0x1e8: {  	_ =	sfence.sel $0x180000  }
0x1e9: {  	[bflag:$0x0] =	sbarrier.arrive $0xFFFF  }
0x1ea: {  	_ =	strace $0x9000004D  }
0x1eb: {  	s0 =	stileid.u32;
	[bflag:$0x2] =	sbarrier.arrive $0xFFFF  }
0x1ec: {  	p0 =	sne.s32 s0, $0x0;
	s0 =	rddreg [dreg:$0x2]  }
0x1ed: {  	s0 =	sadd.s32 @!p0 $0x100000, s0  }
0x1ee: {  	[sflag:s0] =	ssyncadd.tile.s32 @!p0 $0x1;
	_ =	shalt  }
.Lfunc_end2:
_tile_overlayer_lowered:
.L_overlay_start_2:
0x1ef: {  	(tag) =	ssettag $0x2  }
0x1f0: {  	s0 =	rddreg [dreg:$0x0];
	s2 =	stileid.u32  }
0x1f1: {  	s1 =	rddreg [dreg:$0x1];
	p0 =	sne.s32 s2, $0x0  }
0x1f2: {  	s3 =	rddreg [dreg:$0x2];
	[bflag:$0x3] =	sbarrier.arrive $0xFFFF;
	s2 =	simm.s32 @!p0 $0x1C03  }
0x1f3: {  	[timem:s3], [sflag:s2] =	dma.local @!p0 [hbm:s0], s1  }
0x1f4: {  	s0 =	simm.s32 @!p0 $0x3  }
0x1f5: {  	_ =	swait.ge @!p0 [sflag:s0], s1  }
0x1f6: {  	s1 =	ssub.s32 @!p0 $0x0, s1;
	[sflag:s0] =	ssyncset.done @!p0 $0x0  }
0x1f7: {  	[sflag:s0] =	ssyncadd.s32 @!p0 s1  }
0x1f8: {  	[bflag:$0x3] =	sbarrier.arrive $0xFFFF  }
0x1f9: {  	_ =	shalt  }

// kernel: kernel.7.cloned.1.call-start
scs
__scs_entry_jumppad:
0x0: {  	(pc) =	sbr.rel $0x88, $3  }
0x1: {  	(tag) =	ssettag $0x0;
	lr =	simm.s32 $0x1  }
0x2: {  	[smem:$0x3F9A] =	sst lr;
	_ =	strace $0xD0000000  }
0x3: {  	_ = 	snop  }
0x4: {  	_ = 	snop  }
0x5: {  	_ = 	snop  }
0x6: {  	_ = 	snop  }
0x7: {  	_ = 	snop  }
__scs_overlays_trampoline_lowered:
0x8: {  	[smem:$0x3FA9] =	sst s0  }
0x9: {  	[smem:$0x3FAA] =	sst s1  }
0xa: {  	[smem:$0x3FAB] =	sst s2  }
0xb: {  	[smem:$0x3FAC] =	sst s3  }
0xc: {  	[smem:$0x3FAD] =	sst s4  }
0xd: {  	[smem:$0x3FAE] =	sst s5  }
0xe: {  	[smem:$0x3FAF] =	sst s6  }
0xf: {  	[smem:$0x3FB0] =	sst s7  }
0x10: {  	[smem:$0x3FB1] =	sst s8  }
0x11: {  	[smem:$0x3FB2] =	sst s9;
	s0 =	simm.s32 @!p0 $0x0  }
0x12: {  	s1 =	sld [smem:$0x3F98];
	s0 =	simm.s32 @p0 $0x1  }
0x13: {  	[smem:$0x3FB3] =	sst s0;
	s0 =	simm.s32 @!p1 $0x0  }
0x14: {  	s2 =	sld [smem:$0x3F97];
	s0 =	simm.s32 @p1 $0x1  }
0x15: {  	[smem:$0x3FB4] =	sst s0;
	s0 =	simm.s32 @!p2 $0x0  }
0x16: {  	s3 =	sld [smem:$0x3FDB];
	s0 =	simm.s32 @p2 $0x1  }
0x17: {  	s4 =	simm.s32 $0x1BF5;
	[smem:$0x3FB6] =	sst s0  }
0x18: {  	s0 =	sld [smem:$0x3F99];
	_ =	swait.ge [sflag:s4], $0x0  }
0x19: {  	s7 =	sld [smem:$0x3F9A]  }
0x1a: {  	s8 =	sadd.s32 $0xFFFFE003, lr  }
0x1b: {  	s9 =	sadd.s32 $0xFFFFFEF7, lr;
	s5 =	simm.s32 $0xFFFFFFFF;
	p2 =	slt.u32 s8, $0xFFFFF086  }
0x1c: {  	p1 =	slt.u32 s9, $0xF7A;
	s5 =	simm.s32 @!p2 $0x0  }
0x1d: {  	s5 =	simm.s32 @p1 $0x1;
	p0 =	seq.s32 s7, s2  }
0x1e: {  	s7 =	smul.u32 @!p0 $0xF7A, s2;
	p2 =	seq.s32 @!p0 s5, $0x0  }
0x1f: {  	s9 =	smul.u32 $0xF7A, s1;
	s8 =	simm.s32 @!p0 $0x1BF5;
	p2 =	por !p2, p0  }
0x20: {  	[sflag:s8] =	ssyncset.s32 @!p0 $0xFFFFF086;
	s6 =	sadd.s32 @!p0 s3, s7;
	s7 =	simm.s32 @!p0 $0x108  }
0x21: {  	s3 =	sadd.s32 s3, s9;
	s6 =	sadd.s32 @!p0 $0x88, s6;
	s7 =	simm.s32 @p2 $0x1082  }
0x22: {  	[simem:s7], [sflag:s8] =	dma.local @!p0 [hbm:s6], $0xF7A  }
0x23: {  	s9 =	sor.u32 $0xD0000000, s2;
	s6 =	simm.s32 $0x108;
	_ =	swait.ge @!p0 [sflag:s8], $0x0  }
0x24: {  	s3 =	sadd.s32 $0x88, s3;
	s6 =	simm.s32 @!p1 $0x1082;
	[sflag:s4] =	ssyncset.s32 $0xFFFFF086  }
0x25: {  	[simem:s6], [sflag:s4] =	dma.local [hbm:s3], $0xF7A  }
0x26: {  	[smem:$0x3F9A] =	sst s1;
	(tag) =	ssettag s2;
	_ =	strace s9  }
0x27: {  	s1 =	sld [smem:$0x3FAA]  }
0x28: {  	s2 =	sld [smem:$0x3FAB]  }
0x29: {  	s4 =	sld [smem:$0x3FAD]  }
0x2a: {  	p0 =	seq.s32 s5, $0x0;
	s5 =	sld [smem:$0x3FAE]  }
0x2b: {  	s6 =	sld [smem:$0x3FAF]  }
0x2c: {  	s7 =	sld [smem:$0x3FB0]  }
0x2d: {  	s3 =	simm.s32 $0x108;
	s8 =	sld [smem:$0x3FB1]  }
0x2e: {  	s3 =	simm.s32 @!p0 $0x1082;
	s9 =	sld [smem:$0x3FB2]  }
0x2f: {  	lr =	sadd.s32 s0, s3;
	s0 =	sld [smem:$0x3FA9]  }
0x30: {  	s3 =	sld [smem:$0x3FAC]  }
0x31: {  	[smem:$0x3FB5] =	sst s10  }
0x32: {  	s10 =	sld [smem:$0x3FB3];
	_ =	sdelay $0x3  }
0x33: {  	p0 =	seq.s32 s10, $0x1;
	s10 =	sld [smem:$0x3FB5];
	_ =	sdelay $0x3  }
0x34: {  	[smem:$0x3FB5] =	sst s10  }
0x35: {  	s10 =	sld [smem:$0x3FB4];
	_ =	sdelay $0x3  }
0x36: {  	p1 =	seq.s32 s10, $0x1;
	s10 =	sld [smem:$0x3FB5];
	_ =	sdelay $0x3  }
0x37: {  	[smem:$0x3FB5] =	sst s10  }
0x38: {  	s10 =	sld [smem:$0x3FB6]  }
0x39: {  	_ = 	snop;
	(pc) =	sbr.ind lr, $3  }
0x3a: {  	_ = 	snop  }
0x3b: {  	_ = 	snop  }
0x3c: {  	p2 =	seq.s32 s10, $0x1;
	s10 =	sld [smem:$0x3FB5]  }
0x3d: {  	_ =	shalt  }
0x3e: {  	_ =	shalt  }
0x3f: {  	_ =	shalt  }
0x40: {  	_ =	shalt  }
0x41: {  	_ =	shalt  }
0x42: {  	_ =	shalt  }
0x43: {  	_ =	shalt  }
0x44: {  	_ =	shalt  }
0x45: {  	_ =	shalt  }
0x46: {  	_ =	shalt  }
0x47: {  	_ =	shalt  }
0x48: {  	_ =	shalt  }
0x49: {  	_ =	shalt  }
0x4a: {  	_ =	shalt  }
0x4b: {  	_ =	shalt  }
0x4c: {  	_ =	shalt  }
0x4d: {  	_ =	shalt  }
0x4e: {  	_ =	shalt  }
0x4f: {  	_ =	shalt  }
0x50: {  	_ =	shalt  }
0x51: {  	_ =	shalt  }
0x52: {  	_ =	shalt  }
0x53: {  	_ =	shalt  }
0x54: {  	_ =	shalt  }
0x55: {  	_ =	shalt  }
0x56: {  	_ =	shalt  }
0x57: {  	_ =	shalt  }
0x58: {  	_ =	shalt  }
0x59: {  	_ =	shalt  }
0x5a: {  	_ =	shalt  }
0x5b: {  	_ =	shalt  }
0x5c: {  	_ =	shalt  }
0x5d: {  	_ =	shalt  }
0x5e: {  	_ =	shalt  }
0x5f: {  	_ =	shalt  }
0x60: {  	_ =	shalt  }
0x61: {  	_ =	shalt  }
0x62: {  	_ =	shalt  }
0x63: {  	_ =	shalt  }
0x64: {  	_ =	shalt  }
0x65: {  	_ =	shalt  }
0x66: {  	_ =	shalt  }
0x67: {  	_ =	shalt  }
0x68: {  	_ =	shalt  }
0x69: {  	_ =	shalt  }
0x6a: {  	_ =	shalt  }
0x6b: {  	_ =	shalt  }
0x6c: {  	_ =	shalt  }
0x6d: {  	_ =	shalt  }
0x6e: {  	_ =	shalt  }
0x6f: {  	_ =	shalt  }
0x70: {  	_ =	shalt  }
0x71: {  	_ =	shalt  }
0x72: {  	_ =	shalt  }
0x73: {  	_ =	shalt  }
0x74: {  	_ =	shalt  }
0x75: {  	_ =	shalt  }
0x76: {  	_ =	shalt  }
0x77: {  	_ =	shalt  }
0x78: {  	_ =	shalt  }
0x79: {  	_ =	shalt  }
0x7a: {  	_ =	shalt  }
0x7b: {  	_ =	shalt  }
0x7c: {  	_ =	shalt  }
0x7d: {  	_ =	shalt  }
0x7e: {  	_ =	shalt  }
0x7f: {  	_ =	shalt  }
0x80: {  	_ =	shalt  }
0x81: {  	_ =	shalt  }
0x82: {  	_ =	shalt  }
0x83: {  	_ =	shalt  }
0x84: {  	_ =	shalt  }
0x85: {  	_ =	shalt  }
0x86: {  	_ =	shalt  }
0x87: {  	_ =	shalt  }
.Lfunc_end0:
.L_simem_size_0:
called_computation_lowered:
.L_overlay_start_0:
0x88: {  	s2 =	sld [smem:$0x3FD9]  }
0x89: {  	s3 =	sld [smem:$0x3FFE];
	_ =	sdelay $0x1  }
0x8a: {  	s1 =	srdreg.scid  }
0x8b: {  	s0 =	sand.u32 $0x1, s1  }
0x8c: {  	s17 =	sshll.u32 s0, $0xA;
	s2 =	sadd.s32 s3, s2  }
0x8d: {  	s2 =	sadd.s32 s2, s17  }
0x8e: {  	[smem:$0x3FC1] =	sst s2  }
0x8f: {  	_ = 	snop  }
0x90: {  	s2 =	sld [smem:$0x3FC7]  }
0x91: {  	s18 =	sld [smem:$0x3FD0];
	(tm) =	ssettm $0x1  }
0x92: {  	s4 =	sld [smem:$0x3FFB];
	_ =	sdelay $0x3  }
0x93: {  	_ =	strace s4  }
0x94: {  	s4 =	sld [smem:$0x3FFC];
	_ =	sdelay $0x3  }
0x95: {  	_ =	strace s4  }
0x96: {  	s4 =	sld [smem:$0x3FFD];
	_ =	sdelay $0x3  }
0x97: {  	_ =	strace s4  }
0x98: {  	_ =	strace $0x8FFFFFFF  }
0x99: {  	s19 =	sld [smem:$0x3FDB];
	_ =	sdelay $0x1  }
0x9a: {  	s5 =	simm.s32 $_scs_section_size  }
0x9b: {  	s6 =	simm.s32 $_size__tile_overlayer_lowered;
	s7 =	simm.s32 $_tile_overlayer_lowered  }
0x9c: {  	s22 =	simm.s32 $0x1BFF;
	s21 =	sshll.u32 s7, $0x1;
	s4 =	sadd.s32 s5, s19  }
0x9d: {  	s8 =	simm.s32 $0x0;
	s20 =	sshll.u32 s6, $0x1;
	s6 =	sadd.s32 s21, s4  }
0x9e: {  	[timem:s8], [sflag:s22] =	dma.local [hbm:s6], s20  }
0x9f: {  	_ =	swait.ge [sflag:s22], s20  }
0xa0: {  	s5 =	ssub.s32 $0x0, s20;
	[sflag:s22] =	ssyncset.done $0x0  }
0xa1: {  	[sflag:s22] =	ssyncadd.s32 s5;
	_ =	sdelay $0x1  }
0xa2: {  	s23 =	simm.s32 $0x1B8B  }
0xa3: {  	_ =	swait.ge [sflag:s23], $0x1  }
0xa4: {  	[sflag:s23] =	ssyncset.done $0x0  }
0xa5: {  	s25 =	simm.s32 $0x1B8E;
	s24 =	sld [smem:$0x3FFE];
	[sflag:s23] =	ssyncadd.s32 $0xFFFFFFFF  }
0xa6: {  	s26 =	simm.s32 $execute0_lowered;
	[smem:$0x3FD2] =	sst s25  }
0xa7: {  	s6 =	sshll.u32 s26, $0x1;
	_ =	strace $0x80000046;
	[dreg:$0x1] =	wrdreg $0xFFFFFFFF  }
0xa8: {  	s28 =	simm.s32 $_size_execute0_lowered;
	s4 =	sadd.s32 s4, s6;
	[dreg:$0x0] =	wrdreg $0x0  }
0xa9: {  	s6 =	sshll.u32 s28, $0x1;
	[dreg:$0x2] =	wrdreg s4  }
0xaa: {  	[dreg:$0x3] =	wrdreg s6  }
0xab: {  	[dreg:$0x4] =	wrdreg $0xC0  }
0xac: {  	_ =	task [dreg:s8], $0x5FFFF  }
0xad: {  	[dreg:$0x1] =	wrdreg $0xFFFFFFFF  }
0xae: {  	[dreg:$0x0] =	wrdreg $0x60  }
0xaf: {  	[dreg:$0x2] =	wrdreg s24  }
0xb0: {  	[dreg:$0x3] =	wrdreg s18  }
0xb1: {  	[dreg:$0x4] =	wrdreg s2  }
0xb2: {  	[dreg:$0x5] =	wrdreg $0x9  }
0xb3: {  	_ =	task.clear_ibuf [dreg:s8], $0x6FFFF;
	_ =	strace $0x90000046  }
0xb4: {  	s29 =	simm.s32 $0x9;
	_ =	strace $0x80000048  }
0xb5: {  	_ =	swait.ge [sflag:s29], $0x1  }
0xb6: {  	[sflag:s29] =	ssyncadd.s32 $0xFFFFFFFF  }
0xb7: {  	_ =	strace $0x90000048  }
0xb8: {  	_ =	sfence  }
0xb9: {  	s30 =	sld [smem:$0x0];
	_ =	sdelay $0x2  }
0xba: {  	s31 =	sshll.u32 s1, $0xD;
	s1 =	sshrl.u32 s1, $0x2  }
0xbb: {  	s3 =	sand.u32 $0x4000, s31;
	s1 =	sadd.s32 s1, s30  }
0xbc: {  	s0 =	sor.u32 s3, s0;
	s1 =	sshll.u32 s1, $0x11  }
0xbd: {  	s0 =	sor.u32 s1, s0  }
0xbe: {  	s0 =	sadd.s32 $0x8F2B, s0  }
0xbf: {  	[sflag:s0] =	ssyncadd.remote.s32 $0x1  }
0xc0: {  	_ =	sfence.sel $0xFFFF  }
0xc1: {  	[dreg:$0x0] =	wrdreg $0xFFFFFFFF;
	(pc) =	sbr.abs _section_cstart, $3  }
0xc2: {  	[dreg:$0x1] =	wrdreg $0xFFFFFFFF  }
0xc3: {  	_ =	task.clear_ibuf [dreg:s8], $0x2FFFF;
	_ =	strace $0x9FFFFFFF  }
0xc4: {  	(tm) =	ssettm $0x7FFFFFFF  }
0xc5: {  	_ =	shalt  }
tec
execute0_lowered:
.L_overlay_start_1:
0x0: {  	(tag) =	ssettag $0x1  }
0x1: {  	s3 =	rddreg [dreg:$0x0]  }
0x2: {  	s4 =	rddreg [dreg:$0x1];
	s1 =	srdreg.scid  }
0x3: {  	s0 =	stileid.u32;
	s5 =	rddreg [dreg:$0x2]  }
0x4: {  	s10 =	simm.s32 $0x2710;
	s11 =	simm.s32 $0x4E20;
	s12 =	simm.s32 $0x7530  }
0x5: {  	s13 =	simm.s32 $0x9C40;
	s6 =	sand.u32 $0x1, s1;
	s2 =	sshll.u32 s0, $0x1  }
0x6: {  	s14 =	simm.s32 $0x0;
	s7 =	sor.u32 s6, s2;
	s2 =	simm.s32 $0x0  }
0x7: {  	s6 =	ssub.s32 $0x2, s6;
	s7 =	smul.u32 $0x4E2, s7;
	[smem:$0x7FF] =	sst s2  }
0x8: {  	s1 =	rddreg [dreg:$0x3];
	s8 =	sshrl.u32 s6, $0x1;
	_ =	strace $0x80000047  }
0x9: {  	s8 =	ssub.s32 s6, s8;
	s9 =	sadd.s32 s7, s3;
	s4 =	sadd.s32 s4, s7  }
0xa: {  	s5 =	sadd.s32 s5, s7;
	s8 =	smax.u32 s8, $0x1;
	s3 =	sadd.s32 $0x1800, s9  }
0xb: {  	s6 =	sadd.s32 $0xB600, s9;
	s7 =	sadd.s32 $0x15400, s9;
	s9 =	simm.s32 $0x1  }
.LBB2_1:
0xc: {  	[tilespmem:s2], [sflag:$0x1] =	stream.linear.gather [hbm4b:s3+s2], $0x2710, $0x38;
	[tilespmem:$0xC350] =	vst v63  }
0xd: {  	_ =	swait.ge [sflag:s9], $0x2710  }
0xe: {  	[sflag:s9] =	ssyncset.done $0x0  }
0xf: {  	[sflag:s9] =	ssyncadd.s32 $0xFFFFD8F0  }
0x10: {  	[tilespmem:s10], [sflag:$0x1] =	stream.linear.gather [hbm4b:s4+s2], $0x2710, $0x38;
	[tilespmem:$0xC350] =	vst v63  }
0x11: {  	_ =	swait.ge [sflag:s9], $0x2710  }
0x12: {  	[sflag:s9] =	ssyncset.done $0x0  }
0x13: {  	[sflag:s9] =	ssyncadd.s32 $0xFFFFD8F0  }
0x14: {  	[tilespmem:s11], [sflag:$0x1] =	stream.linear.gather [hbm4b:s5+s2], $0x2710, $0x38;
	[tilespmem:$0xC350] =	vst v63  }
0x15: {  	_ =	swait.ge [sflag:s9], $0x2710  }
0x16: {  	[sflag:s9] =	ssyncset.done $0x0  }
0x17: {  	s15 =	simm.s32 $0x20;
	[sflag:s9] =	ssyncadd.s32 $0xFFFFD8F0  }
0x18: {  	s16 =	simm.s32 $0x4E40;
	v0 =	vld [tilespmem:s15+$0x10]  }
0x19: {  	v7 =	vld [tilespmem:s16+$0x10]  }
0x1a: {  	v4 =	vld [tilespmem:s15+$0xFFFFFFE0]  }
0x1b: {  	v3 =	vld [tilespmem:s15+$0xFFFFFFF0]  }
0x1c: {  	v5 =	vld [tilespmem:s15+$0x0]  }
0x1d: {  	s31 =	simm.s32 $0x60;
	v1 =	vld [tilespmem:s16+$0xFFFFFFF0]  }
0x1e: {  	v9 =	vld [tilespmem:s31+$0x10]  }
0x1f: {  	v11 =	vld [tilespmem:s31+$0xFFFFFFE0]  }
0x20: {  	v10 =	vld [tilespmem:s31+$0xFFFFFFF0];
	v2 =	vshll.u32 v0, $0xA  }
0x21: {  	s17 =	simm.s32 $0x7550;
	s15 =	simm.s32 $0x4E80;
	v0 =	vld [tilespmem:s16+$0x0];
	v6 =	vadd.s32 v7, v2  }
0x22: {  	[tilespmem:s17+$0x10] =	vst v6;
	v6 =	vld [tilespmem:s15+$0x10]  }
0x23: {  	s19 =	simm.s32 $0x2730;
	v2 =	vld [tilespmem:s16+$0xFFFFFFE0]  }
0x24: {  	v8 =	vld [tilespmem:s19+$0x10]  }
0x25: {  	v12 =	vld [tilespmem:s31+$0x0];
	v3 =	vshll.u32 v3, $0xA  }
0x26: {  	v9 =	vshll.u32 v9, $0xA;
	v13 =	vadd.s32 v1, v3;
	v3 =	vld [tilespmem:s15+$0xFFFFFFF0]  }
0x27: {  	v14 =	vshll.u32 v4, $0xA;
	v4 =	vld [tilespmem:s15+$0x0];
	s16 =	simm.s32 $0x7590;
	[tilespmem:s17+$0xFFFFFFF0] =	vst v13;
	v9 =	vadd.s32 v6, v9  }
0x28: {  	s18 =	simm.s32 $0x2770;
	v13 =	vshll.u32 v5, $0xA;
	v5 =	vld [tilespmem:s15+$0xFFFFFFE0];
	v14 =	vadd.s32 v2, v14;
	[tilespmem:s16+$0x10] =	vst v9  }
0x29: {  	v13 =	vadd.s32 v0, v13;
	[tilespmem:s17+$0xFFFFFFE0] =	vst v14;
	v8 =	vshll.u32 v8, $0xA;
	v9 =	vld [tilespmem:s18+$0x10]  }
0x2a: {  	[tilespmem:s17+$0x0] =	vst v13;
	s17 =	simm.s32 $0x9C60;
	v7 =	vadd.s32 v7, v8;
	v8 =	vshll.u32 v10, $0xA;
	v10 =	vld [tilespmem:s19+$0xFFFFFFE0]  }
0x2b: {  	s20 =	simm.s32 $0x4;
	v12 =	vshll.u32 v12, $0xA;
	[tilespmem:s17+$0x10] =	vst v7;
	v8 =	vadd.s32 v3, v8;
	v7 =	vld [tilespmem:s19+$0xFFFFFFF0]  }
0x2c: {  	s22 =	simm.s32 $0xA0;
	s21 =	simm.s32 $0x2770;
	v11 =	vshll.u32 v11, $0xA;
	v12 =	vadd.s32 v4, v12;
	[tilespmem:s16+$0xFFFFFFF0] =	vst v8;
	v8 =	vld [tilespmem:s19+$0x0];
	s19 =	simm.s32 $0x9C60  }
.LBB2_2:
0x2d: {  	v13 =	vld [tilespmem:s22+$0x10];
	s20 =	sadd.s32 $0x4, s20;
	v11 =	vadd.s32 v5, v11;
	[tilespmem:s16+$0x0] =	vst v12;
	s15 =	sadd.s32 $0x40, s15  }
0x2e: {  	v12 =	vld [tilespmem:s15+$0x10];
	p0 =	slt.u32 s20, $0x26C;
	[tilespmem:s16+$0xFFFFFFE0] =	vst v11;
	v9 =	vshll.u32 v9, $0xA  }
0x2f: {  	s17 =	sadd.s32 $0x40, s17;
	v11 =	vld [tilespmem:s22+$0xFFFFFFE0];
	v6 =	vadd.s32 v6, v9;
	v9 =	vshll.u32 v10, $0xA  }
0x30: {  	v10 =	vld [tilespmem:s22+$0xFFFFFFF0];
	[tilespmem:s17+$0x10] =	vst v6;
	v6 =	vadd.s32 v2, v9;
	v7 =	vshll.u32 v7, $0xA;
	v2 =	vmov v5  }
0x31: {  	v14 =	vld [tilespmem:s22+$0x0];
	[tilespmem:s19+$0xFFFFFFE0] =	vst v6;
	v5 =	vadd.s32 v1, v7;
	v8 =	vshll.u32 v8, $0xA;
	v1 =	vmov v3  }
0x32: {  	v3 =	vld [tilespmem:s15+$0xFFFFFFF0];
	v7 =	vshll.u32 v13, $0xA;
	[tilespmem:s19+$0xFFFFFFF0] =	vst v5;
	v5 =	vadd.s32 v0, v8;
	v0 =	vmov v4  }
0x33: {  	s16 =	sadd.s32 $0x40, s16;
	v4 =	vld [tilespmem:s15+$0x0];
	v7 =	vadd.s32 v12, v7;
	[tilespmem:s19+$0x0] =	vst v5;
	v6 =	vmov v12;
	s19 =	smov.u32 s17  }
.Ltmp0:
0x34: {  	s18 =	sadd.s32 $0x40, s18;
	v5 =	vld [tilespmem:s15+$0xFFFFFFE0];
	v11 =	vshll.u32 v11, $0xA;
	[tilespmem:s16+$0x10] =	vst v7;
	(pc) =	sbr.rel @p0 .LBB2_2-.Ltmp0, $4  }
0x35: {  	v7 =	vshll.u32 v10, $0xA;
	v9 =	vld [tilespmem:s18+$0x10]  }
0x36: {  	v8 =	vshll.u32 v14, $0xA;
	v10 =	vld [tilespmem:s21+$0xFFFFFFE0]  }
0x37: {  	v12 =	vadd.s32 v3, v7;
	v7 =	vld [tilespmem:s21+$0xFFFFFFF0]  }
0x38: {  	s22 =	sadd.s32 $0x40, s22;
	[tilespmem:s16+$0xFFFFFFF0] =	vst v12;
	v12 =	vadd.s32 v4, v8;
	v8 =	vld [tilespmem:s21+$0x0];
	s21 =	smov.u32 s18  }
0x39: {  	v11 =	vadd.s32 v5, v11;
	[tilespmem:s16+$0x0] =	vst v12;
	v51 =	vld [tilespmem:s21+$0xFFFFFFF0]  }
0x3a: {  	[tilespmem:s16+$0xFFFFFFE0] =	vst v11;
	v9 =	vshll.u32 v9, $0xA;
	v53 =	vld [tilespmem:s21+$0x0]  }
0x3b: {  	s15 =	sadd.s32 $0x40, s17;
	v11 =	vld [tilespmem:s21+$0xFFFFFFE0];
	v6 =	vadd.s32 v6, v9;
	v52 =	vshll.u32 v10, $0xA  }
0x3c: {  	[tilespmem:s15+$0x10] =	vst v6;
	v2 =	vadd.s32 v2, v52;
	v54 =	vshll.u32 v7, $0xA  }
0x3d: {  	[tilespmem:s19+$0xFFFFFFE0] =	vst v2;
	v1 =	vadd.s32 v1, v54;
	v55 =	vshll.u32 v8, $0xA  }
0x3e: {  	[tilespmem:s19+$0xFFFFFFF0] =	vst v1;
	v0 =	vadd.s32 v0, v55;
	v58 =	vshll.u32 v51, $0xA  }
0x3f: {  	[tilespmem:s19+$0x0] =	vst v0;
	v59 =	vadd.s32 v3, v58;
	v60 =	vshll.u32 v53, $0xA  }
0x40: {  	v56 =	vshll.u32 v11, $0xA;
	[tilespmem:s15+$0xFFFFFFF0] =	vst v59;
	v61 =	vadd.s32 v4, v60  }
0x41: {  	v57 =	vadd.s32 v5, v56;
	[tilespmem:s15+$0x0] =	vst v61  }
0x42: {  	[tilespmem:s15+$0xFFFFFFE0] =	vst v57  }
0x43: {  	v0 =	vld [tilespmem:$0x7520]  }
0x44: {  	v62 =	vld [tilespmem:$0x2700]  }
0x45: {  	v63 =	vld [tilespmem:$0x4E10];
	_ =	sdelay $0x3  }
0x46: {  	v1 =	vshll.u32 v62, $0xA  }
0x47: {  	v2 =	vshll.u32 v63, $0xA;
	v1 =	vadd.s32 v0, v1  }
0x48: {  	v0 =	vadd.s32 v0, v2;
	[tilespmem:$0x9C30] =	vst v1  }
0x49: {  	[tilespmem:$0xC340] =	vst v0  }
0x4a: {  	[hbm4b:s6+s2] =	stream.linear.scatter [tilespmem:s12], [sflag:$0x1], $0x2710, $0x38;
	[tilespmem:$0xC350] =	vst v63  }
0x4b: {  	s14 =	sadd.s32 $0x1, s14;
	_ =	swait.ge [sflag:s9], $0x2710  }
0x4c: {  	p0 =	sne.s32 s14, s8;
	[sflag:s9] =	ssyncset.done $0x0  }
.Ltmp1:
0x4d: {  	[sflag:s9] =	ssyncadd.s32 $0xFFFFD8F0;
	(pc) =	sbr.rel @p0 .LBB2_1-.Ltmp1, $4  }
0x4e: {  	[hbm4b:s7+s2] =	stream.linear.scatter [tilespmem:s13], [sflag:$0x1], $0x2710, $0x38;
	[tilespmem:$0xC350] =	vst v63  }
0x4f: {  	_ =	swait.ge [sflag:s9], $0x2710  }
0x50: {  	[sflag:s9] =	ssyncset.done $0x0  }
0x51: {  	[sflag:s9] =	ssyncadd.s32 $0xFFFFD8F0  }
0x52: {  	_ =	sfence.sel $0x180000  }
0x53: {  	[bflag:$0x0] =	sbarrier.arrive $0xFFFF  }
0x54: {  	p0 =	sne.s32 s0, $0x0;
	_ =	strace $0x90000047  }
0x55: {  	s0 =	sadd.s32 @!p0 $0x100000, s1;
	[bflag:$0x2] =	sbarrier.arrive $0xFFFF  }
0x56: {  	[sflag:s0] =	ssyncadd.tile.s32 @!p0 $0x1;
	_ =	shalt  }
.Lfunc_end2:
_tile_overlayer_lowered:
.L_overlay_start_2:
0x57: {  	(tag) =	ssettag $0x2  }
0x58: {  	s0 =	rddreg [dreg:$0x0];
	s2 =	stileid.u32  }
0x59: {  	s1 =	rddreg [dreg:$0x1];
	p0 =	sne.s32 s2, $0x0  }
0x5a: {  	s3 =	rddreg [dreg:$0x2];
	[bflag:$0x3] =	sbarrier.arrive $0xFFFF;
	s2 =	simm.s32 @!p0 $0x1C01  }
0x5b: {  	[timem:s3], [sflag:s2] =	dma.local @!p0 [hbm:s0], s1  }
0x5c: {  	s0 =	simm.s32 @!p0 $0x1  }
0x5d: {  	_ =	swait.ge @!p0 [sflag:s0], s1  }
0x5e: {  	s1 =	ssub.s32 @!p0 $0x0, s1;
	[sflag:s0] =	ssyncset.done @!p0 $0x0  }
0x5f: {  	[sflag:s0] =	ssyncadd.s32 @!p0 s1  }
0x60: {  	[bflag:$0x3] =	sbarrier.arrive $0xFFFF  }
0x61: {  	_ =	shalt  }

</sc_bundles>
